<compile_context>
chip_gen: v7x
topology: tpu7x:2x2x1
jax: 0.10.2.dev20260603
libtpu: 0.0.44.dev20260713+nightly
codegen_flags: <defaults>
</compile_context>

<pallas_src>
import functools

import jax
import jax.numpy as jnp
from jax import lax
from jax.experimental import pallas as pl
from jax.experimental.pallas import tpu as pltpu
from jax.experimental.pallas import tpu_sc as plsc

_N_FREQ_MASKS = 2
_FREQ_MASK_SIZE = 27.0
_N_TIME_MASKS = 2
_TIME_MASK_PCT = 0.05

_BBLK = 4
_NC = 2
_NS = 16
_CH = 16


def _tc_body(frand_ref, x_ref, o_ref):
    _, T, F = x_ref.shape
    f_idx = jax.lax.broadcasted_iota(jnp.int32, (1, F), 1)
    fkeep = jnp.ones((1, F), jnp.float32)
    for i in range(_N_FREQ_MASKS):
        value = frand_ref[i, 0] * _FREQ_MASK_SIZE
        min_v = frand_ref[i, 1] * (jnp.float32(F) - value)
        start = jnp.floor(min_v)
        end = start + jnp.floor(value)
        band = (f_idx >= start.astype(jnp.int32)) & (f_idx < end.astype(jnp.int32))
        fkeep = jnp.where(band, jnp.float32(0.0), fkeep)
    for k in range(_BBLK):
        o_ref[k] = x_ref[k] * fkeep


def _sc_body(n_tasks, F, y_hbm, base_hbm, nrow_hbm, tok_hbm, base_v, nrow_v, zer_v):
    wid = lax.axis_index("s") * _NC + lax.axis_index("c")
    tasks_per_w = n_tasks // (_NC * _NS)

    pltpu.sync_copy(base_hbm, base_v.at[pl.ds(0, n_tasks)])
    pltpu.sync_copy(nrow_hbm, nrow_v.at[pl.ds(0, n_tasks)])
    for i in range(_CH * F // 16):
        zer_v[pl.ds(i * 16, 16)] = jnp.zeros((16,), jnp.float32)

    for kk in range(tasks_per_w):
        task = wid * tasks_per_w + kk
        base = pl.multiple_of(base_v[pl.ds(task, 16)][0], F)
        nrow = nrow_v[pl.ds(task, 16)][0]
        nf = nrow // _CH
        rem = nrow - nf * _CH

        def chunk_body(i, _, base=base):
            pltpu.sync_copy(zer_v, y_hbm.at[pl.ds(base + i * (_CH * F), _CH * F)])
            return 0

        lax.fori_loop(0, nf, chunk_body, 0)

        def row_body(i, _, base=base, nf=nf):
            pltpu.sync_copy(
                zer_v.at[pl.ds(0, F)],
                y_hbm.at[pl.ds(base + (nf * _CH + i) * F, F)],
            )
            return 0

        lax.fori_loop(0, rem, row_body, 0)

    @pl.when(wid == 0)
    def _():
        pltpu.sync_copy(y_hbm.at[pl.ds(0, 128)], tok_hbm)


def kernel(x, x_len, freq_rand, time_rand):
    B, T, F = x.shape
    y = pl.pallas_call(
        _tc_body,
        grid=(B // _BBLK,),
        in_specs=[
            pl.BlockSpec(memory_space=pltpu.SMEM),
            pl.BlockSpec((_BBLK, T, F), lambda b: (b, 0, 0)),
        ],
        out_specs=pl.BlockSpec((_BBLK, T, F), lambda b: (b, 0, 0)),
        out_shape=jax.ShapeDtypeStruct((B, T, F), x.dtype),
        compiler_params=pltpu.CompilerParams(
            dimension_semantics=("parallel",),
        ),
    )(freq_rand, x)

    xlen_f = x_len.astype(jnp.float32)
    param = jnp.floor(_TIME_MASK_PCT * xlen_f)
    value = time_rand[:, :, 0] * param[:, None]
    min_v = time_rand[:, :, 1] * (xlen_f[:, None] - value)
    istart = jnp.floor(min_v).astype(jnp.int32)
    nrows = jnp.floor(value).astype(jnp.int32)
    b_idx = jnp.arange(B, dtype=jnp.int32)[:, None]
    base = (b_idx * T + istart) * F
    n_tasks = B * _N_TIME_MASKS

    y1 = y.reshape(B * T * F)
    mesh = plsc.VectorSubcoreMesh(
        core_axis_name="c", subcore_axis_name="s", num_cores=_NC, num_subcores=_NS
    )
    sc_fix = functools.partial(
        pl.kernel,
        out_type=jax.ShapeDtypeStruct((128,), jnp.float32),
        mesh=mesh,
        scratch_types=[
            pltpu.VMEM((n_tasks + 16,), jnp.int32),
            pltpu.VMEM((n_tasks + 16,), jnp.int32),
            pltpu.VMEM((_CH * F,), jnp.float32),
        ],
    )(functools.partial(_sc_body, n_tasks, F))
    tok = sc_fix(y1, base.reshape(-1), nrows.reshape(-1))
    out = lax.dynamic_update_slice(y1, tok, (jnp.int32(0),))
    return out.reshape(B, T, F)

# --- scband reference (transcript-rebuilt; emitter-appended) ---
"""Pipeline reference for scband-spec-augment-62526133895490 (READ-ONLY COPY).

The authoritative reference and input builder live on the scoring server;
editing this copy changes nothing except your own understanding.
"""

import jax, jax.numpy as jnp
import numpy as np

N_FREQ_MASKS = 2
FREQ_MASK_SIZE = 27
N_TIME_MASKS = 2
TIME_MASK_PCT = 0.05


def setup_inputs(seed: int = 0) -> dict:
    key = jax.random.key(seed)
    k1, k2, k3, k4 = jax.random.split(key, 4)
    B, T, F = 64, 4096, 128
    x = jax.random.normal(k1, (B, T, F), dtype=jnp.float32)
    x_len = jax.random.randint(k2, (B,), 0, 4096, dtype=jnp.int32)
    freq_rand = jax.random.uniform(k3, (N_FREQ_MASKS, 2), dtype=jnp.float32)
    time_rand = jax.random.uniform(k4, (B, N_TIME_MASKS, 2), dtype=jnp.float32)
    return {"x": x, "x_len": x_len, "freq_rand": freq_rand, "time_rand": time_rand}


def reference(x, x_len, freq_rand, time_rand):
    # x: (B, T, F) mel spectrogram; x_len: (B,) valid time lengths.
    B, T, F = x.shape
    xt = jnp.transpose(x, (0, 2, 1))  # (B, F, T) like torch transpose(1, 2)

    # Frequency masking (iid_masks=False -> same mask for whole batch),
    # matching torchaudio mask_along_axis: value = rand*param,
    # min_v = rand*(axis - value), start = floor(min_v), end = start + floor(value).
    f_idx = jnp.arange(F)
    for i in range(N_FREQ_MASKS):
        value = freq_rand[i, 0] * FREQ_MASK_SIZE
        min_v = freq_rand[i, 1] * (jnp.float32(F) - value)
        start = jnp.floor(min_v)
        end = start + jnp.floor(value)
        mask = (f_idx >= start) & (f_idx < end)
        xt = jnp.where(mask[None, :, None], jnp.float32(0.0), xt)

    # Adaptive per-sample time masking: param_b = int(pct * x_len[b]),
    # mask applied only within the valid region [0, x_len[b]) (start/end always
    # fall inside it since value <= param <= x_len[b]).
    t_idx = jnp.arange(T)
    x_len_f = x_len.astype(jnp.float32)
    for j in range(N_TIME_MASKS):
        param = jnp.floor(TIME_MASK_PCT * x_len_f)  # int() truncation, nonneg
        value = time_rand[:, j, 0] * param
        min_v = time_rand[:, j, 1] * (x_len_f - value)
        start = jnp.floor(min_v)
        end = start + jnp.floor(value)
        mask = (t_idx[None, :] >= start[:, None]) & (t_idx[None, :] < end[:, None])
        xt = jnp.where(mask[:, None, :], jnp.float32(0.0), xt)

    return jnp.transpose(xt, (0, 2, 1))

if __name__ == "__main__":
    import jax
    _d = setup_inputs()
    print(jax.jit(kernel)(*tuple(_d.values())))

</pallas_src>

<mosaic_0001>
#map = affine_map<(d0, d1) -> (0)>
module attributes {stable_mosaic.version = 14 : i64} {
  func.func @_sc_body(%arg0: i32, %arg1: i32, %arg2: memref<33554432xf32, #tpu.memory_space<hbm>>, %arg3: memref<128xi32, #tpu.memory_space<hbm>>, %arg4: memref<128xi32, #tpu.memory_space<hbm>>, %arg5: memref<128xf32, #tpu.memory_space<hbm>>, %arg6: memref<144xi32, #tpu.memory_space<vmem>>, %arg7: memref<144xi32, #tpu.memory_space<vmem>>, %arg8: memref<2048xf32, #tpu.memory_space<vmem>>) attributes {dimension_semantics = [#tpu.dimension_semantics<core_parallel>, #tpu.dimension_semantics<subcore_parallel>], iteration_bounds = array<i64: 2, 16>, scalar_prefetch = 0 : i64, scratch_operands = 3 : i64, tpu.core_type = #tpu.core_type<sc_vector_subcore>, window_params = [{transform_indices = #map}, {transform_indices = #map}, {transform_indices = #map}, {transform_indices = #map}]} {
    %mul3A = arith.constant 2 : i32
    %mul3A_0 = arith.muli %arg1, %mul3A : i32
    %add3A = arith.addi %mul3A_0, %arg0 : i32
    "tpu.region"() ({
      %run_scoped3A = tpu.sem_alloc : memref<!tpu.dma_semaphore, #tpu.memory_space<semaphore_mem>>
      %dma_start3A = arith.constant 0 : i32
      %dma_start3A_1020 = tpu.memref_slice %arg6[%dma_start3A] : memref<144xi32, #tpu.memory_space<vmem>> -> memref<128xi32, #tpu.memory_space<vmem>>
      %dma_start3A_1021 = arith.constant 0 : i32
      %dma_start3A_1022 = tpu.memref_slice %arg6[%dma_start3A_1021] : memref<144xi32, #tpu.memory_space<vmem>> -> memref<128xi32, #tpu.memory_space<vmem>>
      tpu.enqueue_dma source(%arg3 : memref<128xi32, #tpu.memory_space<hbm>>) target(%dma_start3A_1022 : memref<128xi32, #tpu.memory_space<vmem>>) target_semaphore(%run_scoped3A : memref<!tpu.dma_semaphore, #tpu.memory_space<semaphore_mem>>)
      %dma_wait3A = arith.constant 0 : i32
      %dma_wait3A_1023 = tpu.memref_slice %arg6[%dma_wait3A] : memref<144xi32, #tpu.memory_space<vmem>> -> memref<128xi32, #tpu.memory_space<vmem>>
      %dma_wait3A_1024 = arith.constant 0 : i32
      %dma_wait3A_1025 = tpu.memref_slice %arg6[%dma_wait3A_1024] : memref<144xi32, #tpu.memory_space<vmem>> -> memref<128xi32, #tpu.memory_space<vmem>>
      tpu.wait_dma2 semaphore(%run_scoped3A : memref<!tpu.dma_semaphore, #tpu.memory_space<semaphore_mem>>) src(%arg3 : memref<128xi32, #tpu.memory_space<hbm>>) dst(%dma_wait3A_1025 : memref<128xi32, #tpu.memory_space<vmem>>)
      tpu.yield
    }) : () -> ()
    "tpu.region"() ({
      %run_scoped3A = tpu.sem_alloc : memref<!tpu.dma_semaphore, #tpu.memory_space<semaphore_mem>>
      %dma_start3A = arith.constant 0 : i32
      %dma_start3A_1020 = tpu.memref_slice %arg7[%dma_start3A] : memref<144xi32, #tpu.memory_space<vmem>> -> memref<128xi32, #tpu.memory_space<vmem>>
      %dma_start3A_1021 = arith.constant 0 : i32
      %dma_start3A_1022 = tpu.memref_slice %arg7[%dma_start3A_1021] : memref<144xi32, #tpu.memory_space<vmem>> -> memref<128xi32, #tpu.memory_space<vmem>>
      tpu.enqueue_dma source(%arg4 : memref<128xi32, #tpu.memory_space<hbm>>) target(%dma_start3A_1022 : memref<128xi32, #tpu.memory_space<vmem>>) target_semaphore(%run_scoped3A : memref<!tpu.dma_semaphore, #tpu.memory_space<semaphore_mem>>)
      %dma_wait3A = arith.constant 0 : i32
      %dma_wait3A_1023 = tpu.memref_slice %arg7[%dma_wait3A] : memref<144xi32, #tpu.memory_space<vmem>> -> memref<128xi32, #tpu.memory_space<vmem>>
      %dma_wait3A_1024 = arith.constant 0 : i32
      %dma_wait3A_1025 = tpu.memref_slice %arg7[%dma_wait3A_1024] : memref<144xi32, #tpu.memory_space<vmem>> -> memref<128xi32, #tpu.memory_space<vmem>>
      tpu.wait_dma2 semaphore(%run_scoped3A : memref<!tpu.dma_semaphore, #tpu.memory_space<semaphore_mem>>) src(%arg4 : memref<128xi32, #tpu.memory_space<hbm>>) dst(%dma_wait3A_1025 : memref<128xi32, #tpu.memory_space<vmem>>)
      tpu.yield
    }) : () -> ()
    %broadcast_in_dim3A = arith.constant 0.000000e+00 : f32
    %broadcast_in_dim3A_1 = vector.broadcast %broadcast_in_dim3A : f32 to vector<16xf32>
    %swap3A = arith.constant 0 : index
    %swap3A_2 = tpu.vector_load %arg8[%swap3A] {strides = array<i32>} : memref<2048xf32, #tpu.memory_space<vmem>>, vector<16xf32>,
    %swap3A_3 = vector.shape_cast %swap3A_2 : vector<16xf32> to vector<16xf32>
    %swap3A_4 = vector.shape_cast %broadcast_in_dim3A_1 : vector<16xf32> to vector<16xf32>
    tpu.vector_store %arg8[%swap3A], %swap3A_4 {strides = array<i32>} : memref<2048xf32, #tpu.memory_space<vmem>>, vector<16xf32>,
    %broadcast_in_dim3A_5 = arith.constant 0.000000e+00 : f32
    %broadcast_in_dim3A_6 = vector.broadcast %broadcast_in_dim3A_5 : f32 to vector<16xf32>
    %swap3A_7 = arith.constant 16 : index
    %swap3A_8 = tpu.vector_load %arg8[%swap3A_7] {strides = array<i32>} : memref<2048xf32, #tpu.memory_space<vmem>>, vector<16xf32>,
    %swap3A_9 = vector.shape_cast %swap3A_8 : vector<16xf32> to vector<16xf32>
    %swap3A_10 = vector.shape_cast %broadcast_in_dim3A_6 : vector<16xf32> to vector<16xf32>
    tpu.vector_store %arg8[%swap3A_7], %swap3A_10 {strides = array<i32>} : memref<2048xf32, #tpu.memory_space<vmem>>, vector<16xf32>,
    %broadcast_in_dim3A_11 = arith.constant 0.000000e+00 : f32
    %broadcast_in_dim3A_12 = vector.broadcast %broadcast_in_dim3A_11 : f32 to vector<16xf32>
    %swap3A_13 = arith.constant 32 : index
    %swap3A_14 = tpu.vector_load %arg8[%swap3A_13] {strides = array<i32>} : memref<2048xf32, #tpu.memory_space<vmem>>, vector<16xf32>,
    %swap3A_15 = vector.shape_cast %swap3A_14 : vector<16xf32> to vector<16xf32>
    %swap3A_16 = vector.shape_cast %broadcast_in_dim3A_12 : vector<16xf32> to vector<16xf32>
    tpu.vector_store %arg8[%swap3A_13], %swap3A_16 {strides = array<i32>} : memref<2048xf32, #tpu.memory_space<vmem>>, vector<16xf32>,
    %broadcast_in_dim3A_17 = arith.constant 0.000000e+00 : f32
    %broadcast_in_dim3A_18 = vector.broadcast %broadcast_in_dim3A_17 : f32 to vector<16xf32>
    %swap3A_19 = arith.constant 48 : index
    %swap3A_20 = tpu.vector_load %arg8[%swap3A_19] {strides = array<i32>} : memref<2048xf32, #tpu.memory_space<vmem>>, vector<16xf32>,
    %swap3A_21 = vector.shape_cast %swap3A_20 : vector<16xf32> to vector<16xf32>
    %swap3A_22 = vector.shape_cast %broadcast_in_dim3A_18 : vector<16xf32> to vector<16xf32>
    tpu.vector_store %arg8[%swap3A_19], %swap3A_22 {strides = array<i32>} : memref<2048xf32, #tpu.memory_space<vmem>>, vector<16xf32>,
    %broadcast_in_dim3A_23 = arith.constant 0.000000e+00 : f32
    %broadcast_in_dim3A_24 = vector.broadcast %broadcast_in_dim3A_23 : f32 to vector<16xf32>
    %swap3A_25 = arith.constant 64 : index
    %swap3A_26 = tpu.vector_load %arg8[%swap3A_25] {strides = array<i32>} : memref<2048xf32, #tpu.memory_space<vmem>>, vector<16xf32>,
    %swap3A_27 = vector.shape_cast %swap3A_26 : vector<16xf32> to vector<16xf32>
    %swap3A_28 = vector.shape_cast %broadcast_in_dim3A_24 : vector<16xf32> to vector<16xf32>
    tpu.vector_store %arg8[%swap3A_25], %swap3A_28 {strides = array<i32>} : memref<2048xf32, #tpu.memory_space<vmem>>, vector<16xf32>,
    %broadcast_in_dim3A_29 = arith.constant 0.000000e+00 : f32
    %broadcast_in_dim3A_30 = vector.broadcast %broadcast_in_dim3A_29 : f32 to vector<16xf32>
    %swap3A_31 = arith.constant 80 : index
    %swap3A_32 = tpu.vector_load %arg8[%swap3A_31] {strides = array<i32>} : memref<2048xf32, #tpu.memory_space<vmem>>, vector<16xf32>,
    %swap3A_33 = vector.shape_cast %swap3A_32 : vector<16xf32> to vector<16xf32>
    %swap3A_34 = vector.shape_cast %broadcast_in_dim3A_30 : vector<16xf32> to vector<16xf32>
    tpu.vector_store %arg8[%swap3A_31], %swap3A_34 {strides = array<i32>} : memref<2048xf32, #tpu.memory_space<vmem>>, vector<16xf32>,
    %broadcast_in_dim3A_35 = arith.constant 0.000000e+00 : f32
    %broadcast_in_dim3A_36 = vector.broadcast %broadcast_in_dim3A_35 : f32 to vector<16xf32>
    %swap3A_37 = arith.constant 96 : index
    %swap3A_38 = tpu.vector_load %arg8[%swap3A_37] {strides = array<i32>} : memref<2048xf32, #tpu.memory_space<vmem>>, vector<16xf32>,
    %swap3A_39 = vector.shape_cast %swap3A_38 : vector<16xf32> to vector<16xf32>
    %swap3A_40 = vector.shape_cast %broadcast_in_dim3A_36 : vector<16xf32> to vector<16xf32>
    tpu.vector_store %arg8[%swap3A_37], %swap3A_40 {strides = array<i32>} : memref<2048xf32, #tpu.memory_space<vmem>>, vector<16xf32>,
    %broadcast_in_dim3A_41 = arith.constant 0.000000e+00 : f32
    %broadcast_in_dim3A_42 = vector.broadcast %broadcast_in_dim3A_41 : f32 to vector<16xf32>
    %swap3A_43 = arith.constant 112 : index
    %swap3A_44 = tpu.vector_load %arg8[%swap3A_43] {strides = array<i32>} : memref<2048xf32, #tpu.memory_space<vmem>>, vector<16xf32>,
    %swap3A_45 = vector.shape_cast %swap3A_44 : vector<16xf32> to vector<16xf32>
    %swap3A_46 = vector.shape_cast %broadcast_in_dim3A_42 : vector<16xf32> to vector<16xf32>
    tpu.vector_store %arg8[%swap3A_43], %swap3A_46 {strides = array<i32>} : memref<2048xf32, #tpu.memory_space<vmem>>, vector<16xf32>,
    %broadcast_in_dim3A_47 = arith.constant 0.000000e+00 : f32
    %broadcast_in_dim3A_48 = vector.broadcast %broadcast_in_dim3A_47 : f32 to vector<16xf32>
    %swap3A_49 = arith.constant 128 : index
    %swap3A_50 = tpu.vector_load %arg8[%swap3A_49] {strides = array<i32>} : memref<2048xf32, #tpu.memory_space<vmem>>, vector<16xf32>,
    %swap3A_51 = vector.shape_cast %swap3A_50 : vector<16xf32> to vector<16xf32>
    %swap3A_52 = vector.shape_cast %broadcast_in_dim3A_48 : vector<16xf32> to vector<16xf32>
    tpu.vector_store %arg8[%swap3A_49], %swap3A_52 {strides = array<i32>} : memref<2048xf32, #tpu.memory_space<vmem>>, vector<16xf32>,
    %broadcast_in_dim3A_53 = arith.constant 0.000000e+00 : f32
    %broadcast_in_dim3A_54 = vector.broadcast %broadcast_in_dim3A_53 : f32 to vector<16xf32>
    %swap3A_55 = arith.constant 144 : index
    %swap3A_56 = tpu.vector_load %arg8[%swap3A_55] {strides = array<i32>} : memref<2048xf32, #tpu.memory_space<vmem>>, vector<16xf32>,
    %swap3A_57 = vector.shape_cast %swap3A_56 : vector<16xf32> to vector<16xf32>
    %swap3A_58 = vector.shape_cast %broadcast_in_dim3A_54 : vector<16xf32> to vector<16xf32>
    tpu.vector_store %arg8[%swap3A_55], %swap3A_58 {strides = array<i32>} : memref<2048xf32, #tpu.memory_space<vmem>>, vector<16xf32>,
    %broadcast_in_dim3A_59 = arith.constant 0.000000e+00 : f32
    %broadcast_in_dim3A_60 = vector.broadcast %broadcast_in_dim3A_59 : f32 to vector<16xf32>
    %swap3A_61 = arith.constant 160 : index
    %swap3A_62 = tpu.vector_load %arg8[%swap3A_61] {strides = array<i32>} : memref<2048xf32, #tpu.memory_space<vmem>>, vector<16xf32>,
    %swap3A_63 = vector.shape_cast %swap3A_62 : vector<16xf32> to vector<16xf32>
    %swap3A_64 = vector.shape_cast %broadcast_in_dim3A_60 : vector<16xf32> to vector<16xf32>
    tpu.vector_store %arg8[%swap3A_61], %swap3A_64 {strides = array<i32>} : memref<2048xf32, #tpu.memory_space<vmem>>, vector<16xf32>,
    %broadcast_in_dim3A_65 = arith.constant 0.000000e+00 : f32
    %broadcast_in_dim3A_66 = vector.broadcast %broadcast_in_dim3A_65 : f32 to vector<16xf32>
    %swap3A_67 = arith.constant 176 : index
    %swap3A_68 = tpu.vector_load %arg8[%swap3A_67] {strides = array<i32>} : memref<2048xf32, #tpu.memory_space<vmem>>, vector<16xf32>,
    %swap3A_69 = vector.shape_cast %swap3A_68 : vector<16xf32> to vector<16xf32>
    %swap3A_70 = vector.shape_cast %broadcast_in_dim3A_66 : vector<16xf32> to vector<16xf32>
    tpu.vector_store %arg8[%swap3A_67], %swap3A_70 {strides = array<i32>} : memref<2048xf32, #tpu.memory_space<vmem>>, vector<16xf32>,
    %broadcast_in_dim3A_71 = arith.constant 0.000000e+00 : f32
    %broadcast_in_dim3A_72 = vector.broadcast %broadcast_in_dim3A_71 : f32 to vector<16xf32>
    %swap3A_73 = arith.constant 192 : index
    %swap3A_74 = tpu.vector_load %arg8[%swap3A_73] {strides = array<i32>} : memref<2048xf32, #tpu.memory_space<vmem>>, vector<16xf32>,
    %swap3A_75 = vector.shape_cast %swap3A_74 : vector<16xf32> to vector<16xf32>
    %swap3A_76 = vector.shape_cast %broadcast_in_dim3A_72 : vector<16xf32> to vector<16xf32>
    tpu.vector_store %arg8[%swap3A_73], %swap3A_76 {strides = array<i32>} : memref<2048xf32, #tpu.memory_space<vmem>>, vector<16xf32>,
    %broadcast_in_dim3A_77 = arith.constant 0.000000e+00 : f32
    %broadcast_in_dim3A_78 = vector.broadcast %broadcast_in_dim3A_77 : f32 to vector<16xf32>
    %swap3A_79 = arith.constant 208 : index
    %swap3A_80 = tpu.vector_load %arg8[%swap3A_79] {strides = array<i32>} : memref<2048xf32, #tpu.memory_space<vmem>>, vector<16xf32>,
    %swap3A_81 = vector.shape_cast %swap3A_80 : vector<16xf32> to vector<16xf32>
    %swap3A_82 = vector.shape_cast %broadcast_in_dim3A_78 : vector<16xf32> to vector<16xf32>
    tpu.vector_store %arg8[%swap3A_79], %swap3A_82 {strides = array<i32>} : memref<2048xf32, #tpu.memory_space<vmem>>, vector<16xf32>,
    %broadcast_in_dim3A_83 = arith.constant 0.000000e+00 : f32
    %broadcast_in_dim3A_84 = vector.broadcast %broadcast_in_dim3A_83 : f32 to vector<16xf32>
    %swap3A_85 = arith.constant 224 : index
    %swap3A_86 = tpu.vector_load %arg8[%swap3A_85] {strides = array<i32>} : memref<2048xf32, #tpu.memory_space<vmem>>, vector<16xf32>,
    %swap3A_87 = vector.shape_cast %swap3A_86 : vector<16xf32> to vector<16xf32>
    %swap3A_88 = vector.shape_cast %broadcast_in_dim3A_84 : vector<16xf32> to vector<16xf32>
    tpu.vector_store %arg8[%swap3A_85], %swap3A_88 {strides = array<i32>} : memref<2048xf32, #tpu.memory_space<vmem>>, vector<16xf32>,
    %broadcast_in_dim3A_89 = arith.constant 0.000000e+00 : f32
    %broadcast_in_dim3A_90 = vector.broadcast %broadcast_in_dim3A_89 : f32 to vector<16xf32>
    %swap3A_91 = arith.constant 240 : index
    %swap3A_92 = tpu.vector_load %arg8[%swap3A_91] {strides = array<i32>} : memref<2048xf32, #tpu.memory_space<vmem>>, vector<16xf32>,
    %swap3A_93 = vector.shape_cast %swap3A_92 : vector<16xf32> to vector<16xf32>
    %swap3A_94 = vector.shape_cast %broadcast_in_dim3A_90 : vector<16xf32> to vector<16xf32>
    tpu.vector_store %arg8[%swap3A_91], %swap3A_94 {strides = array<i32>} : memref<2048xf32, #tpu.memory_space<vmem>>, vector<16xf32>,
    %broadcast_in_dim3A_95 = arith.constant 0.000000e+00 : f32
    %broadcast_in_dim3A_96 = vector.broadcast %broadcast_in_dim3A_95 : f32 to vector<16xf32>
    %swap3A_97 = arith.constant 256 : index
    %swap3A_98 = tpu.vector_load %arg8[%swap3A_97] {strides = array<i32>} : memref<2048xf32, #tpu.memory_space<vmem>>, vector<16xf32>,
    %swap3A_99 = vector.shape_cast %swap3A_98 : vector<16xf32> to vector<16xf32>
    %swap3A_100 = vector.shape_cast %broadcast_in_dim3A_96 : vector<16xf32> to vector<16xf32>
    tpu.vector_store %arg8[%swap3A_97], %swap3A_100 {strides = array<i32>} : memref<2048xf32, #tpu.memory_space<vmem>>, vector<16xf32>,
    %broadcast_in_dim3A_101 = arith.constant 0.000000e+00 : f32
    %broadcast_in_dim3A_102 = vector.broadcast %broadcast_in_dim3A_101 : f32 to vector<16xf32>
    %swap3A_103 = arith.constant 272 : index
    %swap3A_104 = tpu.vector_load %arg8[%swap3A_103] {strides = array<i32>} : memref<2048xf32, #tpu.memory_space<vmem>>, vector<16xf32>,
    %swap3A_105 = vector.shape_cast %swap3A_104 : vector<16xf32> to vector<16xf32>
    %swap3A_106 = vector.shape_cast %broadcast_in_dim3A_102 : vector<16xf32> to vector<16xf32>
    tpu.vector_store %arg8[%swap3A_103], %swap3A_106 {strides = array<i32>} : memref<2048xf32, #tpu.memory_space<vmem>>, vector<16xf32>,
    %broadcast_in_dim3A_107 = arith.constant 0.000000e+00 : f32
    %broadcast_in_dim3A_108 = vector.broadcast %broadcast_in_dim3A_107 : f32 to vector<16xf32>
    %swap3A_109 = arith.constant 288 : index
    %swap3A_110 = tpu.vector_load %arg8[%swap3A_109] {strides = array<i32>} : memref<2048xf32, #tpu.memory_space<vmem>>, vector<16xf32>,
    %swap3A_111 = vector.shape_cast %swap3A_110 : vector<16xf32> to vector<16xf32>
    %swap3A_112 = vector.shape_cast %broadcast_in_dim3A_108 : vector<16xf32> to vector<16xf32>
    tpu.vector_store %arg8[%swap3A_109], %swap3A_112 {strides = array<i32>} : memref<2048xf32, #tpu.memory_space<vmem>>, vector<16xf32>,
    %broadcast_in_dim3A_113 = arith.constant 0.000000e+00 : f32
    %broadcast_in_dim3A_114 = vector.broadcast %broadcast_in_dim3A_113 : f32 to vector<16xf32>
    %swap3A_115 = arith.constant 304 : index
    %swap3A_116 = tpu.vector_load %arg8[%swap3A_115] {strides = array<i32>} : memref<2048xf32, #tpu.memory_space<vmem>>, vector<16xf32>,
    %swap3A_117 = vector.shape_cast %swap3A_116 : vector<16xf32> to vector<16xf32>
    %swap3A_118 = vector.shape_cast %broadcast_in_dim3A_114 : vector<16xf32> to vector<16xf32>
    tpu.vector_store %arg8[%swap3A_115], %swap3A_118 {strides = array<i32>} : memref<2048xf32, #tpu.memory_space<vmem>>, vector<16xf32>,
    %broadcast_in_dim3A_119 = arith.constant 0.000000e+00 : f32
    %broadcast_in_dim3A_120 = vector.broadcast %broadcast_in_dim3A_119 : f32 to vector<16xf32>
    %swap3A_121 = arith.constant 320 : index
    %swap3A_122 = tpu.vector_load %arg8[%swap3A_121] {strides = array<i32>} : memref<2048xf32, #tpu.memory_space<vmem>>, vector<16xf32>,
    %swap3A_123 = vector.shape_cast %swap3A_122 : vector<16xf32> to vector<16xf32>
    %swap3A_124 = vector.shape_cast %broadcast_in_dim3A_120 : vector<16xf32> to vector<16xf32>
    tpu.vector_store %arg8[%swap3A_121], %swap3A_124 {strides = array<i32>} : memref<2048xf32, #tpu.memory_space<vmem>>, vector<16xf32>,
    %broadcast_in_dim3A_125 = arith.constant 0.000000e+00 : f32
    %broadcast_in_dim3A_126 = vector.broadcast %broadcast_in_dim3A_125 : f32 to vector<16xf32>
    %swap3A_127 = arith.constant 336 : index
    %swap3A_128 = tpu.vector_load %arg8[%swap3A_127] {strides = array<i32>} : memref<2048xf32, #tpu.memory_space<vmem>>, vector<16xf32>,
    %swap3A_129 = vector.shape_cast %swap3A_128 : vector<16xf32> to vector<16xf32>
    %swap3A_130 = vector.shape_cast %broadcast_in_dim3A_126 : vector<16xf32> to vector<16xf32>
    tpu.vector_store %arg8[%swap3A_127], %swap3A_130 {strides = array<i32>} : memref<2048xf32, #tpu.memory_space<vmem>>, vector<16xf32>,
    %broadcast_in_dim3A_131 = arith.constant 0.000000e+00 : f32
    %broadcast_in_dim3A_132 = vector.broadcast %broadcast_in_dim3A_131 : f32 to vector<16xf32>
    %swap3A_133 = arith.constant 352 : index
    %swap3A_134 = tpu.vector_load %arg8[%swap3A_133] {strides = array<i32>} : memref<2048xf32, #tpu.memory_space<vmem>>, vector<16xf32>,
    %swap3A_135 = vector.shape_cast %swap3A_134 : vector<16xf32> to vector<16xf32>
    %swap3A_136 = vector.shape_cast %broadcast_in_dim3A_132 : vector<16xf32> to vector<16xf32>
    tpu.vector_store %arg8[%swap3A_133], %swap3A_136 {strides = array<i32>} : memref<2048xf32, #tpu.memory_space<vmem>>, vector<16xf32>,
    %broadcast_in_dim3A_137 = arith.constant 0.000000e+00 : f32
    %broadcast_in_dim3A_138 = vector.broadcast %broadcast_in_dim3A_137 : f32 to vector<16xf32>
    %swap3A_139 = arith.constant 368 : index
    %swap3A_140 = tpu.vector_load %arg8[%swap3A_139] {strides = array<i32>} : memref<2048xf32, #tpu.memory_space<vmem>>, vector<16xf32>,
    %swap3A_141 = vector.shape_cast %swap3A_140 : vector<16xf32> to vector<16xf32>
    %swap3A_142 = vector.shape_cast %broadcast_in_dim3A_138 : vector<16xf32> to vector<16xf32>
    tpu.vector_store %arg8[%swap3A_139], %swap3A_142 {strides = array<i32>} : memref<2048xf32, #tpu.memory_space<vmem>>, vector<16xf32>,
    %broadcast_in_dim3A_143 = arith.constant 0.000000e+00 : f32
    %broadcast_in_dim3A_144 = vector.broadcast %broadcast_in_dim3A_143 : f32 to vector<16xf32>
    %swap3A_145 = arith.constant 384 : index
    %swap3A_146 = tpu.vector_load %arg8[%swap3A_145] {strides = array<i32>} : memref<2048xf32, #tpu.memory_space<vmem>>, vector<16xf32>,
    %swap3A_147 = vector.shape_cast %swap3A_146 : vector<16xf32> to vector<16xf32>
    %swap3A_148 = vector.shape_cast %broadcast_in_dim3A_144 : vector<16xf32> to vector<16xf32>
    tpu.vector_store %arg8[%swap3A_145], %swap3A_148 {strides = array<i32>} : memref<2048xf32, #tpu.memory_space<vmem>>, vector<16xf32>,
    %broadcast_in_dim3A_149 = arith.constant 0.000000e+00 : f32
    %broadcast_in_dim3A_150 = vector.broadcast %broadcast_in_dim3A_149 : f32 to vector<16xf32>
    %swap3A_151 = arith.constant 400 : index
    %swap3A_152 = tpu.vector_load %arg8[%swap3A_151] {strides = array<i32>} : memref<2048xf32, #tpu.memory_space<vmem>>, vector<16xf32>,
    %swap3A_153 = vector.shape_cast %swap3A_152 : vector<16xf32> to vector<16xf32>
    %swap3A_154 = vector.shape_cast %broadcast_in_dim3A_150 : vector<16xf32> to vector<16xf32>
    tpu.vector_store %arg8[%swap3A_151], %swap3A_154 {strides = array<i32>} : memref<2048xf32, #tpu.memory_space<vmem>>, vector<16xf32>,
    %broadcast_in_dim3A_155 = arith.constant 0.000000e+00 : f32
    %broadcast_in_dim3A_156 = vector.broadcast %broadcast_in_dim3A_155 : f32 to vector<16xf32>
    %swap3A_157 = arith.constant 416 : index
    %swap3A_158 = tpu.vector_load %arg8[%swap3A_157] {strides = array<i32>} : memref<2048xf32, #tpu.memory_space<vmem>>, vector<16xf32>,
    %swap3A_159 = vector.shape_cast %swap3A_158 : vector<16xf32> to vector<16xf32>
    %swap3A_160 = vector.shape_cast %broadcast_in_dim3A_156 : vector<16xf32> to vector<16xf32>
    tpu.vector_store %arg8[%swap3A_157], %swap3A_160 {strides = array<i32>} : memref<2048xf32, #tpu.memory_space<vmem>>, vector<16xf32>,
    %broadcast_in_dim3A_161 = arith.constant 0.000000e+00 : f32
    %broadcast_in_dim3A_162 = vector.broadcast %broadcast_in_dim3A_161 : f32 to vector<16xf32>
    %swap3A_163 = arith.constant 432 : index
    %swap3A_164 = tpu.vector_load %arg8[%swap3A_163] {strides = array<i32>} : memref<2048xf32, #tpu.memory_space<vmem>>, vector<16xf32>,
    %swap3A_165 = vector.shape_cast %swap3A_164 : vector<16xf32> to vector<16xf32>
    %swap3A_166 = vector.shape_cast %broadcast_in_dim3A_162 : vector<16xf32> to vector<16xf32>
    tpu.vector_store %arg8[%swap3A_163], %swap3A_166 {strides = array<i32>} : memref<2048xf32, #tpu.memory_space<vmem>>, vector<16xf32>,
    %broadcast_in_dim3A_167 = arith.constant 0.000000e+00 : f32
    %broadcast_in_dim3A_168 = vector.broadcast %broadcast_in_dim3A_167 : f32 to vector<16xf32>
    %swap3A_169 = arith.constant 448 : index
    %swap3A_170 = tpu.vector_load %arg8[%swap3A_169] {strides = array<i32>} : memref<2048xf32, #tpu.memory_space<vmem>>, vector<16xf32>,
    %swap3A_171 = vector.shape_cast %swap3A_170 : vector<16xf32> to vector<16xf32>
    %swap3A_172 = vector.shape_cast %broadcast_in_dim3A_168 : vector<16xf32> to vector<16xf32>
    tpu.vector_store %arg8[%swap3A_169], %swap3A_172 {strides = array<i32>} : memref<2048xf32, #tpu.memory_space<vmem>>, vector<16xf32>,
    %broadcast_in_dim3A_173 = arith.constant 0.000000e+00 : f32
    %broadcast_in_dim3A_174 = vector.broadcast %broadcast_in_dim3A_173 : f32 to vector<16xf32>
    %swap3A_175 = arith.constant 464 : index
    %swap3A_176 = tpu.vector_load %arg8[%swap3A_175] {strides = array<i32>} : memref<2048xf32, #tpu.memory_space<vmem>>, vector<16xf32>,
    %swap3A_177 = vector.shape_cast %swap3A_176 : vector<16xf32> to vector<16xf32>
    %swap3A_178 = vector.shape_cast %broadcast_in_dim3A_174 : vector<16xf32> to vector<16xf32>
    tpu.vector_store %arg8[%swap3A_175], %swap3A_178 {strides = array<i32>} : memref<2048xf32, #tpu.memory_space<vmem>>, vector<16xf32>,
    %broadcast_in_dim3A_179 = arith.constant 0.000000e+00 : f32
    %broadcast_in_dim3A_180 = vector.broadcast %broadcast_in_dim3A_179 : f32 to vector<16xf32>
    %swap3A_181 = arith.constant 480 : index
    %swap3A_182 = tpu.vector_load %arg8[%swap3A_181] {strides = array<i32>} : memref<2048xf32, #tpu.memory_space<vmem>>, vector<16xf32>,
    %swap3A_183 = vector.shape_cast %swap3A_182 : vector<16xf32> to vector<16xf32>
    %swap3A_184 = vector.shape_cast %broadcast_in_dim3A_180 : vector<16xf32> to vector<16xf32>
    tpu.vector_store %arg8[%swap3A_181], %swap3A_184 {strides = array<i32>} : memref<2048xf32, #tpu.memory_space<vmem>>, vector<16xf32>,
    %broadcast_in_dim3A_185 = arith.constant 0.000000e+00 : f32
    %broadcast_in_dim3A_186 = vector.broadcast %broadcast_in_dim3A_185 : f32 to vector<16xf32>
    %swap3A_187 = arith.constant 496 : index
    %swap3A_188 = tpu.vector_load %arg8[%swap3A_187] {strides = array<i32>} : memref<2048xf32, #tpu.memory_space<vmem>>, vector<16xf32>,
    %swap3A_189 = vector.shape_cast %swap3A_188 : vector<16xf32> to vector<16xf32>
    %swap3A_190 = vector.shape_cast %broadcast_in_dim3A_186 : vector<16xf32> to vector<16xf32>
    tpu.vector_store %arg8[%swap3A_187], %swap3A_190 {strides = array<i32>} : memref<2048xf32, #tpu.memory_space<vmem>>, vector<16xf32>,
    %broadcast_in_dim3A_191 = arith.constant 0.000000e+00 : f32
    %broadcast_in_dim3A_192 = vector.broadcast %broadcast_in_dim3A_191 : f32 to vector<16xf32>
    %swap3A_193 = arith.constant 512 : index
    %swap3A_194 = tpu.vector_load %arg8[%swap3A_193] {strides = array<i32>} : memref<2048xf32, #tpu.memory_space<vmem>>, vector<16xf32>,
    %swap3A_195 = vector.shape_cast %swap3A_194 : vector<16xf32> to vector<16xf32>
    %swap3A_196 = vector.shape_cast %broadcast_in_dim3A_192 : vector<16xf32> to vector<16xf32>
    tpu.vector_store %arg8[%swap3A_193], %swap3A_196 {strides = array<i32>} : memref<2048xf32, #tpu.memory_space<vmem>>, vector<16xf32>,
    %broadcast_in_dim3A_197 = arith.constant 0.000000e+00 : f32
    %broadcast_in_dim3A_198 = vector.broadcast %broadcast_in_dim3A_197 : f32 to vector<16xf32>
    %swap3A_199 = arith.constant 528 : index
    %swap3A_200 = tpu.vector_load %arg8[%swap3A_199] {strides = array<i32>} : memref<2048xf32, #tpu.memory_space<vmem>>, vector<16xf32>,
    %swap3A_201 = vector.shape_cast %swap3A_200 : vector<16xf32> to vector<16xf32>
    %swap3A_202 = vector.shape_cast %broadcast_in_dim3A_198 : vector<16xf32> to vector<16xf32>
    tpu.vector_store %arg8[%swap3A_199], %swap3A_202 {strides = array<i32>} : memref<2048xf32, #tpu.memory_space<vmem>>, vector<16xf32>,
    %broadcast_in_dim3A_203 = arith.constant 0.000000e+00 : f32
    %broadcast_in_dim3A_204 = vector.broadcast %broadcast_in_dim3A_203 : f32 to vector<16xf32>
    %swap3A_205 = arith.constant 544 : index
    %swap3A_206 = tpu.vector_load %arg8[%swap3A_205] {strides = array<i32>} : memref<2048xf32, #tpu.memory_space<vmem>>, vector<16xf32>,
    %swap3A_207 = vector.shape_cast %swap3A_206 : vector<16xf32> to vector<16xf32>
    %swap3A_208 = vector.shape_cast %broadcast_in_dim3A_204 : vector<16xf32> to vector<16xf32>
    tpu.vector_store %arg8[%swap3A_205], %swap3A_208 {strides = array<i32>} : memref<2048xf32, #tpu.memory_space<vmem>>, vector<16xf32>,
    %broadcast_in_dim3A_209 = arith.constant 0.000000e+00 : f32
    %broadcast_in_dim3A_210 = vector.broadcast %broadcast_in_dim3A_209 : f32 to vector<16xf32>
    %swap3A_211 = arith.constant 560 : index
    %swap3A_212 = tpu.vector_load %arg8[%swap3A_211] {strides = array<i32>} : memref<2048xf32, #tpu.memory_space<vmem>>, vector<16xf32>,
    %swap3A_213 = vector.shape_cast %swap3A_212 : vector<16xf32> to vector<16xf32>
    %swap3A_214 = vector.shape_cast %broadcast_in_dim3A_210 : vector<16xf32> to vector<16xf32>
    tpu.vector_store %arg8[%swap3A_211], %swap3A_214 {strides = array<i32>} : memref<2048xf32, #tpu.memory_space<vmem>>, vector<16xf32>,
    %broadcast_in_dim3A_215 = arith.constant 0.000000e+00 : f32
    %broadcast_in_dim3A_216 = vector.broadcast %broadcast_in_dim3A_215 : f32 to vector<16xf32>
    %swap3A_217 = arith.constant 576 : index
    %swap3A_218 = tpu.vector_load %arg8[%swap3A_217] {strides = array<i32>} : memref<2048xf32, #tpu.memory_space<vmem>>, vector<16xf32>,
    %swap3A_219 = vector.shape_cast %swap3A_218 : vector<16xf32> to vector<16xf32>
    %swap3A_220 = vector.shape_cast %broadcast_in_dim3A_216 : vector<16xf32> to vector<16xf32>
    tpu.vector_store %arg8[%swap3A_217], %swap3A_220 {strides = array<i32>} : memref<2048xf32, #tpu.memory_space<vmem>>, vector<16xf32>,
    %broadcast_in_dim3A_221 = arith.constant 0.000000e+00 : f32
    %broadcast_in_dim3A_222 = vector.broadcast %broadcast_in_dim3A_221 : f32 to vector<16xf32>
    %swap3A_223 = arith.constant 592 : index
    %swap3A_224 = tpu.vector_load %arg8[%swap3A_223] {strides = array<i32>} : memref<2048xf32, #tpu.memory_space<vmem>>, vector<16xf32>,
    %swap3A_225 = vector.shape_cast %swap3A_224 : vector<16xf32> to vector<16xf32>
    %swap3A_226 = vector.shape_cast %broadcast_in_dim3A_222 : vector<16xf32> to vector<16xf32>
    tpu.vector_store %arg8[%swap3A_223], %swap3A_226 {strides = array<i32>} : memref<2048xf32, #tpu.memory_space<vmem>>, vector<16xf32>,
    %broadcast_in_dim3A_227 = arith.constant 0.000000e+00 : f32
    %broadcast_in_dim3A_228 = vector.broadcast %broadcast_in_dim3A_227 : f32 to vector<16xf32>
    %swap3A_229 = arith.constant 608 : index
    %swap3A_230 = tpu.vector_load %arg8[%swap3A_229] {strides = array<i32>} : memref<2048xf32, #tpu.memory_space<vmem>>, vector<16xf32>,
    %swap3A_231 = vector.shape_cast %swap3A_230 : vector<16xf32> to vector<16xf32>
    %swap3A_232 = vector.shape_cast %broadcast_in_dim3A_228 : vector<16xf32> to vector<16xf32>
    tpu.vector_store %arg8[%swap3A_229], %swap3A_232 {strides = array<i32>} : memref<2048xf32, #tpu.memory_space<vmem>>, vector<16xf32>,
    %broadcast_in_dim3A_233 = arith.constant 0.000000e+00 : f32
    %broadcast_in_dim3A_234 = vector.broadcast %broadcast_in_dim3A_233 : f32 to vector<16xf32>
    %swap3A_235 = arith.constant 624 : index
    %swap3A_236 = tpu.vector_load %arg8[%swap3A_235] {strides = array<i32>} : memref<2048xf32, #tpu.memory_space<vmem>>, vector<16xf32>,
    %swap3A_237 = vector.shape_cast %swap3A_236 : vector<16xf32> to vector<16xf32>
    %swap3A_238 = vector.shape_cast %broadcast_in_dim3A_234 : vector<16xf32> to vector<16xf32>
    tpu.vector_store %arg8[%swap3A_235], %swap3A_238 {strides = array<i32>} : memref<2048xf32, #tpu.memory_space<vmem>>, vector<16xf32>,
    %broadcast_in_dim3A_239 = arith.constant 0.000000e+00 : f32
    %broadcast_in_dim3A_240 = vector.broadcast %broadcast_in_dim3A_239 : f32 to vector<16xf32>
    %swap3A_241 = arith.constant 640 : index
    %swap3A_242 = tpu.vector_load %arg8[%swap3A_241] {strides = array<i32>} : memref<2048xf32, #tpu.memory_space<vmem>>, vector<16xf32>,
    %swap3A_243 = vector.shape_cast %swap3A_242 : vector<16xf32> to vector<16xf32>
    %swap3A_244 = vector.shape_cast %broadcast_in_dim3A_240 : vector<16xf32> to vector<16xf32>
    tpu.vector_store %arg8[%swap3A_241], %swap3A_244 {strides = array<i32>} : memref<2048xf32, #tpu.memory_space<vmem>>, vector<16xf32>,
    %broadcast_in_dim3A_245 = arith.constant 0.000000e+00 : f32
    %broadcast_in_dim3A_246 = vector.broadcast %broadcast_in_dim3A_245 : f32 to vector<16xf32>
    %swap3A_247 = arith.constant 656 : index
    %swap3A_248 = tpu.vector_load %arg8[%swap3A_247] {strides = array<i32>} : memref<2048xf32, #tpu.memory_space<vmem>>, vector<16xf32>,
    %swap3A_249 = vector.shape_cast %swap3A_248 : vector<16xf32> to vector<16xf32>
    %swap3A_250 = vector.shape_cast %broadcast_in_dim3A_246 : vector<16xf32> to vector<16xf32>
    tpu.vector_store %arg8[%swap3A_247], %swap3A_250 {strides = array<i32>} : memref<2048xf32, #tpu.memory_space<vmem>>, vector<16xf32>,
    %broadcast_in_dim3A_251 = arith.constant 0.000000e+00 : f32
    %broadcast_in_dim3A_252 = vector.broadcast %broadcast_in_dim3A_251 : f32 to vector<16xf32>
    %swap3A_253 = arith.constant 672 : index
    %swap3A_254 = tpu.vector_load %arg8[%swap3A_253] {strides = array<i32>} : memref<2048xf32, #tpu.memory_space<vmem>>, vector<16xf32>,
    %swap3A_255 = vector.shape_cast %swap3A_254 : vector<16xf32> to vector<16xf32>
    %swap3A_256 = vector.shape_cast %broadcast_in_dim3A_252 : vector<16xf32> to vector<16xf32>
    tpu.vector_store %arg8[%swap3A_253], %swap3A_256 {strides = array<i32>} : memref<2048xf32, #tpu.memory_space<vmem>>, vector<16xf32>,
    %broadcast_in_dim3A_257 = arith.constant 0.000000e+00 : f32
    %broadcast_in_dim3A_258 = vector.broadcast %broadcast_in_dim3A_257 : f32 to vector<16xf32>
    %swap3A_259 = arith.constant 688 : index
    %swap3A_260 = tpu.vector_load %arg8[%swap3A_259] {strides = array<i32>} : memref<2048xf32, #tpu.memory_space<vmem>>, vector<16xf32>,
    %swap3A_261 = vector.shape_cast %swap3A_260 : vector<16xf32> to vector<16xf32>
    %swap3A_262 = vector.shape_cast %broadcast_in_dim3A_258 : vector<16xf32> to vector<16xf32>
    tpu.vector_store %arg8[%swap3A_259], %swap3A_262 {strides = array<i32>} : memref<2048xf32, #tpu.memory_space<vmem>>, vector<16xf32>,
    %broadcast_in_dim3A_263 = arith.constant 0.000000e+00 : f32
    %broadcast_in_dim3A_264 = vector.broadcast %broadcast_in_dim3A_263 : f32 to vector<16xf32>
    %swap3A_265 = arith.constant 704 : index
    %swap3A_266 = tpu.vector_load %arg8[%swap3A_265] {strides = array<i32>} : memref<2048xf32, #tpu.memory_space<vmem>>, vector<16xf32>,
    %swap3A_267 = vector.shape_cast %swap3A_266 : vector<16xf32> to vector<16xf32>
    %swap3A_268 = vector.shape_cast %broadcast_in_dim3A_264 : vector<16xf32> to vector<16xf32>
    tpu.vector_store %arg8[%swap3A_265], %swap3A_268 {strides = array<i32>} : memref<2048xf32, #tpu.memory_space<vmem>>, vector<16xf32>,
    %broadcast_in_dim3A_269 = arith.constant 0.000000e+00 : f32
    %broadcast_in_dim3A_270 = vector.broadcast %broadcast_in_dim3A_269 : f32 to vector<16xf32>
    %swap3A_271 = arith.constant 720 : index
    %swap3A_272 = tpu.vector_load %arg8[%swap3A_271] {strides = array<i32>} : memref<2048xf32, #tpu.memory_space<vmem>>, vector<16xf32>,
    %swap3A_273 = vector.shape_cast %swap3A_272 : vector<16xf32> to vector<16xf32>
    %swap3A_274 = vector.shape_cast %broadcast_in_dim3A_270 : vector<16xf32> to vector<16xf32>
    tpu.vector_store %arg8[%swap3A_271], %swap3A_274 {strides = array<i32>} : memref<2048xf32, #tpu.memory_space<vmem>>, vector<16xf32>,
    %broadcast_in_dim3A_275 = arith.constant 0.000000e+00 : f32
    %broadcast_in_dim3A_276 = vector.broadcast %broadcast_in_dim3A_275 : f32 to vector<16xf32>
    %swap3A_277 = arith.constant 736 : index
    %swap3A_278 = tpu.vector_load %arg8[%swap3A_277] {strides = array<i32>} : memref<2048xf32, #tpu.memory_space<vmem>>, vector<16xf32>,
    %swap3A_279 = vector.shape_cast %swap3A_278 : vector<16xf32> to vector<16xf32>
    %swap3A_280 = vector.shape_cast %broadcast_in_dim3A_276 : vector<16xf32> to vector<16xf32>
    tpu.vector_store %arg8[%swap3A_277], %swap3A_280 {strides = array<i32>} : memref<2048xf32, #tpu.memory_space<vmem>>, vector<16xf32>,
    %broadcast_in_dim3A_281 = arith.constant 0.000000e+00 : f32
    %broadcast_in_dim3A_282 = vector.broadcast %broadcast_in_dim3A_281 : f32 to vector<16xf32>
    %swap3A_283 = arith.constant 752 : index
    %swap3A_284 = tpu.vector_load %arg8[%swap3A_283] {strides = array<i32>} : memref<2048xf32, #tpu.memory_space<vmem>>, vector<16xf32>,
    %swap3A_285 = vector.shape_cast %swap3A_284 : vector<16xf32> to vector<16xf32>
    %swap3A_286 = vector.shape_cast %broadcast_in_dim3A_282 : vector<16xf32> to vector<16xf32>
    tpu.vector_store %arg8[%swap3A_283], %swap3A_286 {strides = array<i32>} : memref<2048xf32, #tpu.memory_space<vmem>>, vector<16xf32>,
    %broadcast_in_dim3A_287 = arith.constant 0.000000e+00 : f32
    %broadcast_in_dim3A_288 = vector.broadcast %broadcast_in_dim3A_287 : f32 to vector<16xf32>
    %swap3A_289 = arith.constant 768 : index
    %swap3A_290 = tpu.vector_load %arg8[%swap3A_289] {strides = array<i32>} : memref<2048xf32, #tpu.memory_space<vmem>>, vector<16xf32>,
    %swap3A_291 = vector.shape_cast %swap3A_290 : vector<16xf32> to vector<16xf32>
    %swap3A_292 = vector.shape_cast %broadcast_in_dim3A_288 : vector<16xf32> to vector<16xf32>
    tpu.vector_store %arg8[%swap3A_289], %swap3A_292 {strides = array<i32>} : memref<2048xf32, #tpu.memory_space<vmem>>, vector<16xf32>,
    %broadcast_in_dim3A_293 = arith.constant 0.000000e+00 : f32
    %broadcast_in_dim3A_294 = vector.broadcast %broadcast_in_dim3A_293 : f32 to vector<16xf32>
    %swap3A_295 = arith.constant 784 : index
    %swap3A_296 = tpu.vector_load %arg8[%swap3A_295] {strides = array<i32>} : memref<2048xf32, #tpu.memory_space<vmem>>, vector<16xf32>,
    %swap3A_297 = vector.shape_cast %swap3A_296 : vector<16xf32> to vector<16xf32>
    %swap3A_298 = vector.shape_cast %broadcast_in_dim3A_294 : vector<16xf32> to vector<16xf32>
    tpu.vector_store %arg8[%swap3A_295], %swap3A_298 {strides = array<i32>} : memref<2048xf32, #tpu.memory_space<vmem>>, vector<16xf32>,
    %broadcast_in_dim3A_299 = arith.constant 0.000000e+00 : f32
    %broadcast_in_dim3A_300 = vector.broadcast %broadcast_in_dim3A_299 : f32 to vector<16xf32>
    %swap3A_301 = arith.constant 800 : index
    %swap3A_302 = tpu.vector_load %arg8[%swap3A_301] {strides = array<i32>} : memref<2048xf32, #tpu.memory_space<vmem>>, vector<16xf32>,
    %swap3A_303 = vector.shape_cast %swap3A_302 : vector<16xf32> to vector<16xf32>
    %swap3A_304 = vector.shape_cast %broadcast_in_dim3A_300 : vector<16xf32> to vector<16xf32>
    tpu.vector_store %arg8[%swap3A_301], %swap3A_304 {strides = array<i32>} : memref<2048xf32, #tpu.memory_space<vmem>>, vector<16xf32>,
    %broadcast_in_dim3A_305 = arith.constant 0.000000e+00 : f32
    %broadcast_in_dim3A_306 = vector.broadcast %broadcast_in_dim3A_305 : f32 to vector<16xf32>
    %swap3A_307 = arith.constant 816 : index
    %swap3A_308 = tpu.vector_load %arg8[%swap3A_307] {strides = array<i32>} : memref<2048xf32, #tpu.memory_space<vmem>>, vector<16xf32>,
    %swap3A_309 = vector.shape_cast %swap3A_308 : vector<16xf32> to vector<16xf32>
    %swap3A_310 = vector.shape_cast %broadcast_in_dim3A_306 : vector<16xf32> to vector<16xf32>
    tpu.vector_store %arg8[%swap3A_307], %swap3A_310 {strides = array<i32>} : memref<2048xf32, #tpu.memory_space<vmem>>, vector<16xf32>,
    %broadcast_in_dim3A_311 = arith.constant 0.000000e+00 : f32
    %broadcast_in_dim3A_312 = vector.broadcast %broadcast_in_dim3A_311 : f32 to vector<16xf32>
    %swap3A_313 = arith.constant 832 : index
    %swap3A_314 = tpu.vector_load %arg8[%swap3A_313] {strides = array<i32>} : memref<2048xf32, #tpu.memory_space<vmem>>, vector<16xf32>,
    %swap3A_315 = vector.shape_cast %swap3A_314 : vector<16xf32> to vector<16xf32>
    %swap3A_316 = vector.shape_cast %broadcast_in_dim3A_312 : vector<16xf32> to vector<16xf32>
    tpu.vector_store %arg8[%swap3A_313], %swap3A_316 {strides = array<i32>} : memref<2048xf32, #tpu.memory_space<vmem>>, vector<16xf32>,
    %broadcast_in_dim3A_317 = arith.constant 0.000000e+00 : f32
    %broadcast_in_dim3A_318 = vector.broadcast %broadcast_in_dim3A_317 : f32 to vector<16xf32>
    %swap3A_319 = arith.constant 848 : index
    %swap3A_320 = tpu.vector_load %arg8[%swap3A_319] {strides = array<i32>} : memref<2048xf32, #tpu.memory_space<vmem>>, vector<16xf32>,
    %swap3A_321 = vector.shape_cast %swap3A_320 : vector<16xf32> to vector<16xf32>
    %swap3A_322 = vector.shape_cast %broadcast_in_dim3A_318 : vector<16xf32> to vector<16xf32>
    tpu.vector_store %arg8[%swap3A_319], %swap3A_322 {strides = array<i32>} : memref<2048xf32, #tpu.memory_space<vmem>>, vector<16xf32>,
    %broadcast_in_dim3A_323 = arith.constant 0.000000e+00 : f32
    %broadcast_in_dim3A_324 = vector.broadcast %broadcast_in_dim3A_323 : f32 to vector<16xf32>
    %swap3A_325 = arith.constant 864 : index
    %swap3A_326 = tpu.vector_load %arg8[%swap3A_325] {strides = array<i32>} : memref<2048xf32, #tpu.memory_space<vmem>>, vector<16xf32>,
    %swap3A_327 = vector.shape_cast %swap3A_326 : vector<16xf32> to vector<16xf32>
    %swap3A_328 = vector.shape_cast %broadcast_in_dim3A_324 : vector<16xf32> to vector<16xf32>
    tpu.vector_store %arg8[%swap3A_325], %swap3A_328 {strides = array<i32>} : memref<2048xf32, #tpu.memory_space<vmem>>, vector<16xf32>,
    %broadcast_in_dim3A_329 = arith.constant 0.000000e+00 : f32
    %broadcast_in_dim3A_330 = vector.broadcast %broadcast_in_dim3A_329 : f32 to vector<16xf32>
    %swap3A_331 = arith.constant 880 : index
    %swap3A_332 = tpu.vector_load %arg8[%swap3A_331] {strides = array<i32>} : memref<2048xf32, #tpu.memory_space<vmem>>, vector<16xf32>,
    %swap3A_333 = vector.shape_cast %swap3A_332 : vector<16xf32> to vector<16xf32>
    %swap3A_334 = vector.shape_cast %broadcast_in_dim3A_330 : vector<16xf32> to vector<16xf32>
    tpu.vector_store %arg8[%swap3A_331], %swap3A_334 {strides = array<i32>} : memref<2048xf32, #tpu.memory_space<vmem>>, vector<16xf32>,
    %broadcast_in_dim3A_335 = arith.constant 0.000000e+00 : f32
    %broadcast_in_dim3A_336 = vector.broadcast %broadcast_in_dim3A_335 : f32 to vector<16xf32>
    %swap3A_337 = arith.constant 896 : index
    %swap3A_338 = tpu.vector_load %arg8[%swap3A_337] {strides = array<i32>} : memref<2048xf32, #tpu.memory_space<vmem>>, vector<16xf32>,
    %swap3A_339 = vector.shape_cast %swap3A_338 : vector<16xf32> to vector<16xf32>
    %swap3A_340 = vector.shape_cast %broadcast_in_dim3A_336 : vector<16xf32> to vector<16xf32>
    tpu.vector_store %arg8[%swap3A_337], %swap3A_340 {strides = array<i32>} : memref<2048xf32, #tpu.memory_space<vmem>>, vector<16xf32>,
    %broadcast_in_dim3A_341 = arith.constant 0.000000e+00 : f32
    %broadcast_in_dim3A_342 = vector.broadcast %broadcast_in_dim3A_341 : f32 to vector<16xf32>
    %swap3A_343 = arith.constant 912 : index
    %swap3A_344 = tpu.vector_load %arg8[%swap3A_343] {strides = array<i32>} : memref<2048xf32, #tpu.memory_space<vmem>>, vector<16xf32>,
    %swap3A_345 = vector.shape_cast %swap3A_344 : vector<16xf32> to vector<16xf32>
    %swap3A_346 = vector.shape_cast %broadcast_in_dim3A_342 : vector<16xf32> to vector<16xf32>
    tpu.vector_store %arg8[%swap3A_343], %swap3A_346 {strides = array<i32>} : memref<2048xf32, #tpu.memory_space<vmem>>, vector<16xf32>,
    %broadcast_in_dim3A_347 = arith.constant 0.000000e+00 : f32
    %broadcast_in_dim3A_348 = vector.broadcast %broadcast_in_dim3A_347 : f32 to vector<16xf32>
    %swap3A_349 = arith.constant 928 : index
    %swap3A_350 = tpu.vector_load %arg8[%swap3A_349] {strides = array<i32>} : memref<2048xf32, #tpu.memory_space<vmem>>, vector<16xf32>,
    %swap3A_351 = vector.shape_cast %swap3A_350 : vector<16xf32> to vector<16xf32>
    %swap3A_352 = vector.shape_cast %broadcast_in_dim3A_348 : vector<16xf32> to vector<16xf32>
    tpu.vector_store %arg8[%swap3A_349], %swap3A_352 {strides = array<i32>} : memref<2048xf32, #tpu.memory_space<vmem>>, vector<16xf32>,
    %broadcast_in_dim3A_353 = arith.constant 0.000000e+00 : f32
    %broadcast_in_dim3A_354 = vector.broadcast %broadcast_in_dim3A_353 : f32 to vector<16xf32>
    %swap3A_355 = arith.constant 944 : index
    %swap3A_356 = tpu.vector_load %arg8[%swap3A_355] {strides = array<i32>} : memref<2048xf32, #tpu.memory_space<vmem>>, vector<16xf32>,
    %swap3A_357 = vector.shape_cast %swap3A_356 : vector<16xf32> to vector<16xf32>
    %swap3A_358 = vector.shape_cast %broadcast_in_dim3A_354 : vector<16xf32> to vector<16xf32>
    tpu.vector_store %arg8[%swap3A_355], %swap3A_358 {strides = array<i32>} : memref<2048xf32, #tpu.memory_space<vmem>>, vector<16xf32>,
    %broadcast_in_dim3A_359 = arith.constant 0.000000e+00 : f32
    %broadcast_in_dim3A_360 = vector.broadcast %broadcast_in_dim3A_359 : f32 to vector<16xf32>
    %swap3A_361 = arith.constant 960 : index
    %swap3A_362 = tpu.vector_load %arg8[%swap3A_361] {strides = array<i32>} : memref<2048xf32, #tpu.memory_space<vmem>>, vector<16xf32>,
    %swap3A_363 = vector.shape_cast %swap3A_362 : vector<16xf32> to vector<16xf32>
    %swap3A_364 = vector.shape_cast %broadcast_in_dim3A_360 : vector<16xf32> to vector<16xf32>
    tpu.vector_store %arg8[%swap3A_361], %swap3A_364 {strides = array<i32>} : memref<2048xf32, #tpu.memory_space<vmem>>, vector<16xf32>,
    %broadcast_in_dim3A_365 = arith.constant 0.000000e+00 : f32
    %broadcast_in_dim3A_366 = vector.broadcast %broadcast_in_dim3A_365 : f32 to vector<16xf32>
    %swap3A_367 = arith.constant 976 : index
    %swap3A_368 = tpu.vector_load %arg8[%swap3A_367] {strides = array<i32>} : memref<2048xf32, #tpu.memory_space<vmem>>, vector<16xf32>,
    %swap3A_369 = vector.shape_cast %swap3A_368 : vector<16xf32> to vector<16xf32>
    %swap3A_370 = vector.shape_cast %broadcast_in_dim3A_366 : vector<16xf32> to vector<16xf32>
    tpu.vector_store %arg8[%swap3A_367], %swap3A_370 {strides = array<i32>} : memref<2048xf32, #tpu.memory_space<vmem>>, vector<16xf32>,
    %broadcast_in_dim3A_371 = arith.constant 0.000000e+00 : f32
    %broadcast_in_dim3A_372 = vector.broadcast %broadcast_in_dim3A_371 : f32 to vector<16xf32>
    %swap3A_373 = arith.constant 992 : index
    %swap3A_374 = tpu.vector_load %arg8[%swap3A_373] {strides = array<i32>} : memref<2048xf32, #tpu.memory_space<vmem>>, vector<16xf32>,
    %swap3A_375 = vector.shape_cast %swap3A_374 : vector<16xf32> to vector<16xf32>
    %swap3A_376 = vector.shape_cast %broadcast_in_dim3A_372 : vector<16xf32> to vector<16xf32>
    tpu.vector_store %arg8[%swap3A_373], %swap3A_376 {strides = array<i32>} : memref<2048xf32, #tpu.memory_space<vmem>>, vector<16xf32>,
    %broadcast_in_dim3A_377 = arith.constant 0.000000e+00 : f32
    %broadcast_in_dim3A_378 = vector.broadcast %broadcast_in_dim3A_377 : f32 to vector<16xf32>
    %swap3A_379 = arith.constant 1008 : index
    %swap3A_380 = tpu.vector_load %arg8[%swap3A_379] {strides = array<i32>} : memref<2048xf32, #tpu.memory_space<vmem>>, vector<16xf32>,
    %swap3A_381 = vector.shape_cast %swap3A_380 : vector<16xf32> to vector<16xf32>
    %swap3A_382 = vector.shape_cast %broadcast_in_dim3A_378 : vector<16xf32> to vector<16xf32>
    tpu.vector_store %arg8[%swap3A_379], %swap3A_382 {strides = array<i32>} : memref<2048xf32, #tpu.memory_space<vmem>>, vector<16xf32>,
    %broadcast_in_dim3A_383 = arith.constant 0.000000e+00 : f32
    %broadcast_in_dim3A_384 = vector.broadcast %broadcast_in_dim3A_383 : f32 to vector<16xf32>
    %swap3A_385 = arith.constant 1024 : index
    %swap3A_386 = tpu.vector_load %arg8[%swap3A_385] {strides = array<i32>} : memref<2048xf32, #tpu.memory_space<vmem>>, vector<16xf32>,
    %swap3A_387 = vector.shape_cast %swap3A_386 : vector<16xf32> to vector<16xf32>
    %swap3A_388 = vector.shape_cast %broadcast_in_dim3A_384 : vector<16xf32> to vector<16xf32>
    tpu.vector_store %arg8[%swap3A_385], %swap3A_388 {strides = array<i32>} : memref<2048xf32, #tpu.memory_space<vmem>>, vector<16xf32>,
    %broadcast_in_dim3A_389 = arith.constant 0.000000e+00 : f32
    %broadcast_in_dim3A_390 = vector.broadcast %broadcast_in_dim3A_389 : f32 to vector<16xf32>
    %swap3A_391 = arith.constant 1040 : index
    %swap3A_392 = tpu.vector_load %arg8[%swap3A_391] {strides = array<i32>} : memref<2048xf32, #tpu.memory_space<vmem>>, vector<16xf32>,
    %swap3A_393 = vector.shape_cast %swap3A_392 : vector<16xf32> to vector<16xf32>
    %swap3A_394 = vector.shape_cast %broadcast_in_dim3A_390 : vector<16xf32> to vector<16xf32>
    tpu.vector_store %arg8[%swap3A_391], %swap3A_394 {strides = array<i32>} : memref<2048xf32, #tpu.memory_space<vmem>>, vector<16xf32>,
    %broadcast_in_dim3A_395 = arith.constant 0.000000e+00 : f32
    %broadcast_in_dim3A_396 = vector.broadcast %broadcast_in_dim3A_395 : f32 to vector<16xf32>
    %swap3A_397 = arith.constant 1056 : index
    %swap3A_398 = tpu.vector_load %arg8[%swap3A_397] {strides = array<i32>} : memref<2048xf32, #tpu.memory_space<vmem>>, vector<16xf32>,
    %swap3A_399 = vector.shape_cast %swap3A_398 : vector<16xf32> to vector<16xf32>
    %swap3A_400 = vector.shape_cast %broadcast_in_dim3A_396 : vector<16xf32> to vector<16xf32>
    tpu.vector_store %arg8[%swap3A_397], %swap3A_400 {strides = array<i32>} : memref<2048xf32, #tpu.memory_space<vmem>>, vector<16xf32>,
    %broadcast_in_dim3A_401 = arith.constant 0.000000e+00 : f32
    %broadcast_in_dim3A_402 = vector.broadcast %broadcast_in_dim3A_401 : f32 to vector<16xf32>
    %swap3A_403 = arith.constant 1072 : index
    %swap3A_404 = tpu.vector_load %arg8[%swap3A_403] {strides = array<i32>} : memref<2048xf32, #tpu.memory_space<vmem>>, vector<16xf32>,
    %swap3A_405 = vector.shape_cast %swap3A_404 : vector<16xf32> to vector<16xf32>
    %swap3A_406 = vector.shape_cast %broadcast_in_dim3A_402 : vector<16xf32> to vector<16xf32>
    tpu.vector_store %arg8[%swap3A_403], %swap3A_406 {strides = array<i32>} : memref<2048xf32, #tpu.memory_space<vmem>>, vector<16xf32>,
    %broadcast_in_dim3A_407 = arith.constant 0.000000e+00 : f32
    %broadcast_in_dim3A_408 = vector.broadcast %broadcast_in_dim3A_407 : f32 to vector<16xf32>
    %swap3A_409 = arith.constant 1088 : index
    %swap3A_410 = tpu.vector_load %arg8[%swap3A_409] {strides = array<i32>} : memref<2048xf32, #tpu.memory_space<vmem>>, vector<16xf32>,
    %swap3A_411 = vector.shape_cast %swap3A_410 : vector<16xf32> to vector<16xf32>
    %swap3A_412 = vector.shape_cast %broadcast_in_dim3A_408 : vector<16xf32> to vector<16xf32>
    tpu.vector_store %arg8[%swap3A_409], %swap3A_412 {strides = array<i32>} : memref<2048xf32, #tpu.memory_space<vmem>>, vector<16xf32>,
    %broadcast_in_dim3A_413 = arith.constant 0.000000e+00 : f32
    %broadcast_in_dim3A_414 = vector.broadcast %broadcast_in_dim3A_413 : f32 to vector<16xf32>
    %swap3A_415 = arith.constant 1104 : index
    %swap3A_416 = tpu.vector_load %arg8[%swap3A_415] {strides = array<i32>} : memref<2048xf32, #tpu.memory_space<vmem>>, vector<16xf32>,
    %swap3A_417 = vector.shape_cast %swap3A_416 : vector<16xf32> to vector<16xf32>
    %swap3A_418 = vector.shape_cast %broadcast_in_dim3A_414 : vector<16xf32> to vector<16xf32>
    tpu.vector_store %arg8[%swap3A_415], %swap3A_418 {strides = array<i32>} : memref<2048xf32, #tpu.memory_space<vmem>>, vector<16xf32>,
    %broadcast_in_dim3A_419 = arith.constant 0.000000e+00 : f32
    %broadcast_in_dim3A_420 = vector.broadcast %broadcast_in_dim3A_419 : f32 to vector<16xf32>
    %swap3A_421 = arith.constant 1120 : index
    %swap3A_422 = tpu.vector_load %arg8[%swap3A_421] {strides = array<i32>} : memref<2048xf32, #tpu.memory_space<vmem>>, vector<16xf32>,
    %swap3A_423 = vector.shape_cast %swap3A_422 : vector<16xf32> to vector<16xf32>
    %swap3A_424 = vector.shape_cast %broadcast_in_dim3A_420 : vector<16xf32> to vector<16xf32>
    tpu.vector_store %arg8[%swap3A_421], %swap3A_424 {strides = array<i32>} : memref<2048xf32, #tpu.memory_space<vmem>>, vector<16xf32>,
    %broadcast_in_dim3A_425 = arith.constant 0.000000e+00 : f32
    %broadcast_in_dim3A_426 = vector.broadcast %broadcast_in_dim3A_425 : f32 to vector<16xf32>
    %swap3A_427 = arith.constant 1136 : index
    %swap3A_428 = tpu.vector_load %arg8[%swap3A_427] {strides = array<i32>} : memref<2048xf32, #tpu.memory_space<vmem>>, vector<16xf32>,
    %swap3A_429 = vector.shape_cast %swap3A_428 : vector<16xf32> to vector<16xf32>
    %swap3A_430 = vector.shape_cast %broadcast_in_dim3A_426 : vector<16xf32> to vector<16xf32>
    tpu.vector_store %arg8[%swap3A_427], %swap3A_430 {strides = array<i32>} : memref<2048xf32, #tpu.memory_space<vmem>>, vector<16xf32>,
    %broadcast_in_dim3A_431 = arith.constant 0.000000e+00 : f32
    %broadcast_in_dim3A_432 = vector.broadcast %broadcast_in_dim3A_431 : f32 to vector<16xf32>
    %swap3A_433 = arith.constant 1152 : index
    %swap3A_434 = tpu.vector_load %arg8[%swap3A_433] {strides = array<i32>} : memref<2048xf32, #tpu.memory_space<vmem>>, vector<16xf32>,
    %swap3A_435 = vector.shape_cast %swap3A_434 : vector<16xf32> to vector<16xf32>
    %swap3A_436 = vector.shape_cast %broadcast_in_dim3A_432 : vector<16xf32> to vector<16xf32>
    tpu.vector_store %arg8[%swap3A_433], %swap3A_436 {strides = array<i32>} : memref<2048xf32, #tpu.memory_space<vmem>>, vector<16xf32>,
    %broadcast_in_dim3A_437 = arith.constant 0.000000e+00 : f32
    %broadcast_in_dim3A_438 = vector.broadcast %broadcast_in_dim3A_437 : f32 to vector<16xf32>
    %swap3A_439 = arith.constant 1168 : index
    %swap3A_440 = tpu.vector_load %arg8[%swap3A_439] {strides = array<i32>} : memref<2048xf32, #tpu.memory_space<vmem>>, vector<16xf32>,
    %swap3A_441 = vector.shape_cast %swap3A_440 : vector<16xf32> to vector<16xf32>
    %swap3A_442 = vector.shape_cast %broadcast_in_dim3A_438 : vector<16xf32> to vector<16xf32>
    tpu.vector_store %arg8[%swap3A_439], %swap3A_442 {strides = array<i32>} : memref<2048xf32, #tpu.memory_space<vmem>>, vector<16xf32>,
    %broadcast_in_dim3A_443 = arith.constant 0.000000e+00 : f32
    %broadcast_in_dim3A_444 = vector.broadcast %broadcast_in_dim3A_443 : f32 to vector<16xf32>
    %swap3A_445 = arith.constant 1184 : index
    %swap3A_446 = tpu.vector_load %arg8[%swap3A_445] {strides = array<i32>} : memref<2048xf32, #tpu.memory_space<vmem>>, vector<16xf32>,
    %swap3A_447 = vector.shape_cast %swap3A_446 : vector<16xf32> to vector<16xf32>
    %swap3A_448 = vector.shape_cast %broadcast_in_dim3A_444 : vector<16xf32> to vector<16xf32>
    tpu.vector_store %arg8[%swap3A_445], %swap3A_448 {strides = array<i32>} : memref<2048xf32, #tpu.memory_space<vmem>>, vector<16xf32>,
    %broadcast_in_dim3A_449 = arith.constant 0.000000e+00 : f32
    %broadcast_in_dim3A_450 = vector.broadcast %broadcast_in_dim3A_449 : f32 to vector<16xf32>
    %swap3A_451 = arith.constant 1200 : index
    %swap3A_452 = tpu.vector_load %arg8[%swap3A_451] {strides = array<i32>} : memref<2048xf32, #tpu.memory_space<vmem>>, vector<16xf32>,
    %swap3A_453 = vector.shape_cast %swap3A_452 : vector<16xf32> to vector<16xf32>
    %swap3A_454 = vector.shape_cast %broadcast_in_dim3A_450 : vector<16xf32> to vector<16xf32>
    tpu.vector_store %arg8[%swap3A_451], %swap3A_454 {strides = array<i32>} : memref<2048xf32, #tpu.memory_space<vmem>>, vector<16xf32>,
    %broadcast_in_dim3A_455 = arith.constant 0.000000e+00 : f32
    %broadcast_in_dim3A_456 = vector.broadcast %broadcast_in_dim3A_455 : f32 to vector<16xf32>
    %swap3A_457 = arith.constant 1216 : index
    %swap3A_458 = tpu.vector_load %arg8[%swap3A_457] {strides = array<i32>} : memref<2048xf32, #tpu.memory_space<vmem>>, vector<16xf32>,
    %swap3A_459 = vector.shape_cast %swap3A_458 : vector<16xf32> to vector<16xf32>
    %swap3A_460 = vector.shape_cast %broadcast_in_dim3A_456 : vector<16xf32> to vector<16xf32>
    tpu.vector_store %arg8[%swap3A_457], %swap3A_460 {strides = array<i32>} : memref<2048xf32, #tpu.memory_space<vmem>>, vector<16xf32>,
    %broadcast_in_dim3A_461 = arith.constant 0.000000e+00 : f32
    %broadcast_in_dim3A_462 = vector.broadcast %broadcast_in_dim3A_461 : f32 to vector<16xf32>
    %swap3A_463 = arith.constant 1232 : index
    %swap3A_464 = tpu.vector_load %arg8[%swap3A_463] {strides = array<i32>} : memref<2048xf32, #tpu.memory_space<vmem>>, vector<16xf32>,
    %swap3A_465 = vector.shape_cast %swap3A_464 : vector<16xf32> to vector<16xf32>
    %swap3A_466 = vector.shape_cast %broadcast_in_dim3A_462 : vector<16xf32> to vector<16xf32>
    tpu.vector_store %arg8[%swap3A_463], %swap3A_466 {strides = array<i32>} : memref<2048xf32, #tpu.memory_space<vmem>>, vector<16xf32>,
    %broadcast_in_dim3A_467 = arith.constant 0.000000e+00 : f32
    %broadcast_in_dim3A_468 = vector.broadcast %broadcast_in_dim3A_467 : f32 to vector<16xf32>
    %swap3A_469 = arith.constant 1248 : index
    %swap3A_470 = tpu.vector_load %arg8[%swap3A_469] {strides = array<i32>} : memref<2048xf32, #tpu.memory_space<vmem>>, vector<16xf32>,
    %swap3A_471 = vector.shape_cast %swap3A_470 : vector<16xf32> to vector<16xf32>
    %swap3A_472 = vector.shape_cast %broadcast_in_dim3A_468 : vector<16xf32> to vector<16xf32>
    tpu.vector_store %arg8[%swap3A_469], %swap3A_472 {strides = array<i32>} : memref<2048xf32, #tpu.memory_space<vmem>>, vector<16xf32>,
    %broadcast_in_dim3A_473 = arith.constant 0.000000e+00 : f32
    %broadcast_in_dim3A_474 = vector.broadcast %broadcast_in_dim3A_473 : f32 to vector<16xf32>
    %swap3A_475 = arith.constant 1264 : index
    %swap3A_476 = tpu.vector_load %arg8[%swap3A_475] {strides = array<i32>} : memref<2048xf32, #tpu.memory_space<vmem>>, vector<16xf32>,
    %swap3A_477 = vector.shape_cast %swap3A_476 : vector<16xf32> to vector<16xf32>
    %swap3A_478 = vector.shape_cast %broadcast_in_dim3A_474 : vector<16xf32> to vector<16xf32>
    tpu.vector_store %arg8[%swap3A_475], %swap3A_478 {strides = array<i32>} : memref<2048xf32, #tpu.memory_space<vmem>>, vector<16xf32>,
    %broadcast_in_dim3A_479 = arith.constant 0.000000e+00 : f32
    %broadcast_in_dim3A_480 = vector.broadcast %broadcast_in_dim3A_479 : f32 to vector<16xf32>
    %swap3A_481 = arith.constant 1280 : index
    %swap3A_482 = tpu.vector_load %arg8[%swap3A_481] {strides = array<i32>} : memref<2048xf32, #tpu.memory_space<vmem>>, vector<16xf32>,
    %swap3A_483 = vector.shape_cast %swap3A_482 : vector<16xf32> to vector<16xf32>
    %swap3A_484 = vector.shape_cast %broadcast_in_dim3A_480 : vector<16xf32> to vector<16xf32>
    tpu.vector_store %arg8[%swap3A_481], %swap3A_484 {strides = array<i32>} : memref<2048xf32, #tpu.memory_space<vmem>>, vector<16xf32>,
    %broadcast_in_dim3A_485 = arith.constant 0.000000e+00 : f32
    %broadcast_in_dim3A_486 = vector.broadcast %broadcast_in_dim3A_485 : f32 to vector<16xf32>
    %swap3A_487 = arith.constant 1296 : index
    %swap3A_488 = tpu.vector_load %arg8[%swap3A_487] {strides = array<i32>} : memref<2048xf32, #tpu.memory_space<vmem>>, vector<16xf32>,
    %swap3A_489 = vector.shape_cast %swap3A_488 : vector<16xf32> to vector<16xf32>
    %swap3A_490 = vector.shape_cast %broadcast_in_dim3A_486 : vector<16xf32> to vector<16xf32>
    tpu.vector_store %arg8[%swap3A_487], %swap3A_490 {strides = array<i32>} : memref<2048xf32, #tpu.memory_space<vmem>>, vector<16xf32>,
    %broadcast_in_dim3A_491 = arith.constant 0.000000e+00 : f32
    %broadcast_in_dim3A_492 = vector.broadcast %broadcast_in_dim3A_491 : f32 to vector<16xf32>
    %swap3A_493 = arith.constant 1312 : index
    %swap3A_494 = tpu.vector_load %arg8[%swap3A_493] {strides = array<i32>} : memref<2048xf32, #tpu.memory_space<vmem>>, vector<16xf32>,
    %swap3A_495 = vector.shape_cast %swap3A_494 : vector<16xf32> to vector<16xf32>
    %swap3A_496 = vector.shape_cast %broadcast_in_dim3A_492 : vector<16xf32> to vector<16xf32>
    tpu.vector_store %arg8[%swap3A_493], %swap3A_496 {strides = array<i32>} : memref<2048xf32, #tpu.memory_space<vmem>>, vector<16xf32>,
    %broadcast_in_dim3A_497 = arith.constant 0.000000e+00 : f32
    %broadcast_in_dim3A_498 = vector.broadcast %broadcast_in_dim3A_497 : f32 to vector<16xf32>
    %swap3A_499 = arith.constant 1328 : index
    %swap3A_500 = tpu.vector_load %arg8[%swap3A_499] {strides = array<i32>} : memref<2048xf32, #tpu.memory_space<vmem>>, vector<16xf32>,
    %swap3A_501 = vector.shape_cast %swap3A_500 : vector<16xf32> to vector<16xf32>
    %swap3A_502 = vector.shape_cast %broadcast_in_dim3A_498 : vector<16xf32> to vector<16xf32>
    tpu.vector_store %arg8[%swap3A_499], %swap3A_502 {strides = array<i32>} : memref<2048xf32, #tpu.memory_space<vmem>>, vector<16xf32>,
    %broadcast_in_dim3A_503 = arith.constant 0.000000e+00 : f32
    %broadcast_in_dim3A_504 = vector.broadcast %broadcast_in_dim3A_503 : f32 to vector<16xf32>
    %swap3A_505 = arith.constant 1344 : index
    %swap3A_506 = tpu.vector_load %arg8[%swap3A_505] {strides = array<i32>} : memref<2048xf32, #tpu.memory_space<vmem>>, vector<16xf32>,
    %swap3A_507 = vector.shape_cast %swap3A_506 : vector<16xf32> to vector<16xf32>
    %swap3A_508 = vector.shape_cast %broadcast_in_dim3A_504 : vector<16xf32> to vector<16xf32>
    tpu.vector_store %arg8[%swap3A_505], %swap3A_508 {strides = array<i32>} : memref<2048xf32, #tpu.memory_space<vmem>>, vector<16xf32>,
    %broadcast_in_dim3A_509 = arith.constant 0.000000e+00 : f32
    %broadcast_in_dim3A_510 = vector.broadcast %broadcast_in_dim3A_509 : f32 to vector<16xf32>
    %swap3A_511 = arith.constant 1360 : index
    %swap3A_512 = tpu.vector_load %arg8[%swap3A_511] {strides = array<i32>} : memref<2048xf32, #tpu.memory_space<vmem>>, vector<16xf32>,
    %swap3A_513 = vector.shape_cast %swap3A_512 : vector<16xf32> to vector<16xf32>
    %swap3A_514 = vector.shape_cast %broadcast_in_dim3A_510 : vector<16xf32> to vector<16xf32>
    tpu.vector_store %arg8[%swap3A_511], %swap3A_514 {strides = array<i32>} : memref<2048xf32, #tpu.memory_space<vmem>>, vector<16xf32>,
    %broadcast_in_dim3A_515 = arith.constant 0.000000e+00 : f32
    %broadcast_in_dim3A_516 = vector.broadcast %broadcast_in_dim3A_515 : f32 to vector<16xf32>
    %swap3A_517 = arith.constant 1376 : index
    %swap3A_518 = tpu.vector_load %arg8[%swap3A_517] {strides = array<i32>} : memref<2048xf32, #tpu.memory_space<vmem>>, vector<16xf32>,
    %swap3A_519 = vector.shape_cast %swap3A_518 : vector<16xf32> to vector<16xf32>
    %swap3A_520 = vector.shape_cast %broadcast_in_dim3A_516 : vector<16xf32> to vector<16xf32>
    tpu.vector_store %arg8[%swap3A_517], %swap3A_520 {strides = array<i32>} : memref<2048xf32, #tpu.memory_space<vmem>>, vector<16xf32>,
    %broadcast_in_dim3A_521 = arith.constant 0.000000e+00 : f32
    %broadcast_in_dim3A_522 = vector.broadcast %broadcast_in_dim3A_521 : f32 to vector<16xf32>
    %swap3A_523 = arith.constant 1392 : index
    %swap3A_524 = tpu.vector_load %arg8[%swap3A_523] {strides = array<i32>} : memref<2048xf32, #tpu.memory_space<vmem>>, vector<16xf32>,
    %swap3A_525 = vector.shape_cast %swap3A_524 : vector<16xf32> to vector<16xf32>
    %swap3A_526 = vector.shape_cast %broadcast_in_dim3A_522 : vector<16xf32> to vector<16xf32>
    tpu.vector_store %arg8[%swap3A_523], %swap3A_526 {strides = array<i32>} : memref<2048xf32, #tpu.memory_space<vmem>>, vector<16xf32>,
    %broadcast_in_dim3A_527 = arith.constant 0.000000e+00 : f32
    %broadcast_in_dim3A_528 = vector.broadcast %broadcast_in_dim3A_527 : f32 to vector<16xf32>
    %swap3A_529 = arith.constant 1408 : index
    %swap3A_530 = tpu.vector_load %arg8[%swap3A_529] {strides = array<i32>} : memref<2048xf32, #tpu.memory_space<vmem>>, vector<16xf32>,
    %swap3A_531 = vector.shape_cast %swap3A_530 : vector<16xf32> to vector<16xf32>
    %swap3A_532 = vector.shape_cast %broadcast_in_dim3A_528 : vector<16xf32> to vector<16xf32>
    tpu.vector_store %arg8[%swap3A_529], %swap3A_532 {strides = array<i32>} : memref<2048xf32, #tpu.memory_space<vmem>>, vector<16xf32>,
    %broadcast_in_dim3A_533 = arith.constant 0.000000e+00 : f32
    %broadcast_in_dim3A_534 = vector.broadcast %broadcast_in_dim3A_533 : f32 to vector<16xf32>
    %swap3A_535 = arith.constant 1424 : index
    %swap3A_536 = tpu.vector_load %arg8[%swap3A_535] {strides = array<i32>} : memref<2048xf32, #tpu.memory_space<vmem>>, vector<16xf32>,
    %swap3A_537 = vector.shape_cast %swap3A_536 : vector<16xf32> to vector<16xf32>
    %swap3A_538 = vector.shape_cast %broadcast_in_dim3A_534 : vector<16xf32> to vector<16xf32>
    tpu.vector_store %arg8[%swap3A_535], %swap3A_538 {strides = array<i32>} : memref<2048xf32, #tpu.memory_space<vmem>>, vector<16xf32>,
    %broadcast_in_dim3A_539 = arith.constant 0.000000e+00 : f32
    %broadcast_in_dim3A_540 = vector.broadcast %broadcast_in_dim3A_539 : f32 to vector<16xf32>
    %swap3A_541 = arith.constant 1440 : index
    %swap3A_542 = tpu.vector_load %arg8[%swap3A_541] {strides = array<i32>} : memref<2048xf32, #tpu.memory_space<vmem>>, vector<16xf32>,
    %swap3A_543 = vector.shape_cast %swap3A_542 : vector<16xf32> to vector<16xf32>
    %swap3A_544 = vector.shape_cast %broadcast_in_dim3A_540 : vector<16xf32> to vector<16xf32>
    tpu.vector_store %arg8[%swap3A_541], %swap3A_544 {strides = array<i32>} : memref<2048xf32, #tpu.memory_space<vmem>>, vector<16xf32>,
    %broadcast_in_dim3A_545 = arith.constant 0.000000e+00 : f32
    %broadcast_in_dim3A_546 = vector.broadcast %broadcast_in_dim3A_545 : f32 to vector<16xf32>
    %swap3A_547 = arith.constant 1456 : index
    %swap3A_548 = tpu.vector_load %arg8[%swap3A_547] {strides = array<i32>} : memref<2048xf32, #tpu.memory_space<vmem>>, vector<16xf32>,
    %swap3A_549 = vector.shape_cast %swap3A_548 : vector<16xf32> to vector<16xf32>
    %swap3A_550 = vector.shape_cast %broadcast_in_dim3A_546 : vector<16xf32> to vector<16xf32>
    tpu.vector_store %arg8[%swap3A_547], %swap3A_550 {strides = array<i32>} : memref<2048xf32, #tpu.memory_space<vmem>>, vector<16xf32>,
    %broadcast_in_dim3A_551 = arith.constant 0.000000e+00 : f32
    %broadcast_in_dim3A_552 = vector.broadcast %broadcast_in_dim3A_551 : f32 to vector<16xf32>
    %swap3A_553 = arith.constant 1472 : index
    %swap3A_554 = tpu.vector_load %arg8[%swap3A_553] {strides = array<i32>} : memref<2048xf32, #tpu.memory_space<vmem>>, vector<16xf32>,
    %swap3A_555 = vector.shape_cast %swap3A_554 : vector<16xf32> to vector<16xf32>
    %swap3A_556 = vector.shape_cast %broadcast_in_dim3A_552 : vector<16xf32> to vector<16xf32>
    tpu.vector_store %arg8[%swap3A_553], %swap3A_556 {strides = array<i32>} : memref<2048xf32, #tpu.memory_space<vmem>>, vector<16xf32>,
    %broadcast_in_dim3A_557 = arith.constant 0.000000e+00 : f32
    %broadcast_in_dim3A_558 = vector.broadcast %broadcast_in_dim3A_557 : f32 to vector<16xf32>
    %swap3A_559 = arith.constant 1488 : index
    %swap3A_560 = tpu.vector_load %arg8[%swap3A_559] {strides = array<i32>} : memref<2048xf32, #tpu.memory_space<vmem>>, vector<16xf32>,
    %swap3A_561 = vector.shape_cast %swap3A_560 : vector<16xf32> to vector<16xf32>
    %swap3A_562 = vector.shape_cast %broadcast_in_dim3A_558 : vector<16xf32> to vector<16xf32>
    tpu.vector_store %arg8[%swap3A_559], %swap3A_562 {strides = array<i32>} : memref<2048xf32, #tpu.memory_space<vmem>>, vector<16xf32>,
    %broadcast_in_dim3A_563 = arith.constant 0.000000e+00 : f32
    %broadcast_in_dim3A_564 = vector.broadcast %broadcast_in_dim3A_563 : f32 to vector<16xf32>
    %swap3A_565 = arith.constant 1504 : index
    %swap3A_566 = tpu.vector_load %arg8[%swap3A_565] {strides = array<i32>} : memref<2048xf32, #tpu.memory_space<vmem>>, vector<16xf32>,
    %swap3A_567 = vector.shape_cast %swap3A_566 : vector<16xf32> to vector<16xf32>
    %swap3A_568 = vector.shape_cast %broadcast_in_dim3A_564 : vector<16xf32> to vector<16xf32>
    tpu.vector_store %arg8[%swap3A_565], %swap3A_568 {strides = array<i32>} : memref<2048xf32, #tpu.memory_space<vmem>>, vector<16xf32>,
    %broadcast_in_dim3A_569 = arith.constant 0.000000e+00 : f32
    %broadcast_in_dim3A_570 = vector.broadcast %broadcast_in_dim3A_569 : f32 to vector<16xf32>
    %swap3A_571 = arith.constant 1520 : index
    %swap3A_572 = tpu.vector_load %arg8[%swap3A_571] {strides = array<i32>} : memref<2048xf32, #tpu.memory_space<vmem>>, vector<16xf32>,
    %swap3A_573 = vector.shape_cast %swap3A_572 : vector<16xf32> to vector<16xf32>
    %swap3A_574 = vector.shape_cast %broadcast_in_dim3A_570 : vector<16xf32> to vector<16xf32>
    tpu.vector_store %arg8[%swap3A_571], %swap3A_574 {strides = array<i32>} : memref<2048xf32, #tpu.memory_space<vmem>>, vector<16xf32>,
    %broadcast_in_dim3A_575 = arith.constant 0.000000e+00 : f32
    %broadcast_in_dim3A_576 = vector.broadcast %broadcast_in_dim3A_575 : f32 to vector<16xf32>
    %swap3A_577 = arith.constant 1536 : index
    %swap3A_578 = tpu.vector_load %arg8[%swap3A_577] {strides = array<i32>} : memref<2048xf32, #tpu.memory_space<vmem>>, vector<16xf32>,
    %swap3A_579 = vector.shape_cast %swap3A_578 : vector<16xf32> to vector<16xf32>
    %swap3A_580 = vector.shape_cast %broadcast_in_dim3A_576 : vector<16xf32> to vector<16xf32>
    tpu.vector_store %arg8[%swap3A_577], %swap3A_580 {strides = array<i32>} : memref<2048xf32, #tpu.memory_space<vmem>>, vector<16xf32>,
    %broadcast_in_dim3A_581 = arith.constant 0.000000e+00 : f32
    %broadcast_in_dim3A_582 = vector.broadcast %broadcast_in_dim3A_581 : f32 to vector<16xf32>
    %swap3A_583 = arith.constant 1552 : index
    %swap3A_584 = tpu.vector_load %arg8[%swap3A_583] {strides = array<i32>} : memref<2048xf32, #tpu.memory_space<vmem>>, vector<16xf32>,
    %swap3A_585 = vector.shape_cast %swap3A_584 : vector<16xf32> to vector<16xf32>
    %swap3A_586 = vector.shape_cast %broadcast_in_dim3A_582 : vector<16xf32> to vector<16xf32>
    tpu.vector_store %arg8[%swap3A_583], %swap3A_586 {strides = array<i32>} : memref<2048xf32, #tpu.memory_space<vmem>>, vector<16xf32>,
    %broadcast_in_dim3A_587 = arith.constant 0.000000e+00 : f32
    %broadcast_in_dim3A_588 = vector.broadcast %broadcast_in_dim3A_587 : f32 to vector<16xf32>
    %swap3A_589 = arith.constant 1568 : index
    %swap3A_590 = tpu.vector_load %arg8[%swap3A_589] {strides = array<i32>} : memref<2048xf32, #tpu.memory_space<vmem>>, vector<16xf32>,
    %swap3A_591 = vector.shape_cast %swap3A_590 : vector<16xf32> to vector<16xf32>
    %swap3A_592 = vector.shape_cast %broadcast_in_dim3A_588 : vector<16xf32> to vector<16xf32>
    tpu.vector_store %arg8[%swap3A_589], %swap3A_592 {strides = array<i32>} : memref<2048xf32, #tpu.memory_space<vmem>>, vector<16xf32>,
    %broadcast_in_dim3A_593 = arith.constant 0.000000e+00 : f32
    %broadcast_in_dim3A_594 = vector.broadcast %broadcast_in_dim3A_593 : f32 to vector<16xf32>
    %swap3A_595 = arith.constant 1584 : index
    %swap3A_596 = tpu.vector_load %arg8[%swap3A_595] {strides = array<i32>} : memref<2048xf32, #tpu.memory_space<vmem>>, vector<16xf32>,
    %swap3A_597 = vector.shape_cast %swap3A_596 : vector<16xf32> to vector<16xf32>
    %swap3A_598 = vector.shape_cast %broadcast_in_dim3A_594 : vector<16xf32> to vector<16xf32>
    tpu.vector_store %arg8[%swap3A_595], %swap3A_598 {strides = array<i32>} : memref<2048xf32, #tpu.memory_space<vmem>>, vector<16xf32>,
    %broadcast_in_dim3A_599 = arith.constant 0.000000e+00 : f32
    %broadcast_in_dim3A_600 = vector.broadcast %broadcast_in_dim3A_599 : f32 to vector<16xf32>
    %swap3A_601 = arith.constant 1600 : index
    %swap3A_602 = tpu.vector_load %arg8[%swap3A_601] {strides = array<i32>} : memref<2048xf32, #tpu.memory_space<vmem>>, vector<16xf32>,
    %swap3A_603 = vector.shape_cast %swap3A_602 : vector<16xf32> to vector<16xf32>
    %swap3A_604 = vector.shape_cast %broadcast_in_dim3A_600 : vector<16xf32> to vector<16xf32>
    tpu.vector_store %arg8[%swap3A_601], %swap3A_604 {strides = array<i32>} : memref<2048xf32, #tpu.memory_space<vmem>>, vector<16xf32>,
    %broadcast_in_dim3A_605 = arith.constant 0.000000e+00 : f32
    %broadcast_in_dim3A_606 = vector.broadcast %broadcast_in_dim3A_605 : f32 to vector<16xf32>
    %swap3A_607 = arith.constant 1616 : index
    %swap3A_608 = tpu.vector_load %arg8[%swap3A_607] {strides = array<i32>} : memref<2048xf32, #tpu.memory_space<vmem>>, vector<16xf32>,
    %swap3A_609 = vector.shape_cast %swap3A_608 : vector<16xf32> to vector<16xf32>
    %swap3A_610 = vector.shape_cast %broadcast_in_dim3A_606 : vector<16xf32> to vector<16xf32>
    tpu.vector_store %arg8[%swap3A_607], %swap3A_610 {strides = array<i32>} : memref<2048xf32, #tpu.memory_space<vmem>>, vector<16xf32>,
    %broadcast_in_dim3A_611 = arith.constant 0.000000e+00 : f32
    %broadcast_in_dim3A_612 = vector.broadcast %broadcast_in_dim3A_611 : f32 to vector<16xf32>
    %swap3A_613 = arith.constant 1632 : index
    %swap3A_614 = tpu.vector_load %arg8[%swap3A_613] {strides = array<i32>} : memref<2048xf32, #tpu.memory_space<vmem>>, vector<16xf32>,
    %swap3A_615 = vector.shape_cast %swap3A_614 : vector<16xf32> to vector<16xf32>
    %swap3A_616 = vector.shape_cast %broadcast_in_dim3A_612 : vector<16xf32> to vector<16xf32>
    tpu.vector_store %arg8[%swap3A_613], %swap3A_616 {strides = array<i32>} : memref<2048xf32, #tpu.memory_space<vmem>>, vector<16xf32>,
    %broadcast_in_dim3A_617 = arith.constant 0.000000e+00 : f32
    %broadcast_in_dim3A_618 = vector.broadcast %broadcast_in_dim3A_617 : f32 to vector<16xf32>
    %swap3A_619 = arith.constant 1648 : index
    %swap3A_620 = tpu.vector_load %arg8[%swap3A_619] {strides = array<i32>} : memref<2048xf32, #tpu.memory_space<vmem>>, vector<16xf32>,
    %swap3A_621 = vector.shape_cast %swap3A_620 : vector<16xf32> to vector<16xf32>
    %swap3A_622 = vector.shape_cast %broadcast_in_dim3A_618 : vector<16xf32> to vector<16xf32>
    tpu.vector_store %arg8[%swap3A_619], %swap3A_622 {strides = array<i32>} : memref<2048xf32, #tpu.memory_space<vmem>>, vector<16xf32>,
    %broadcast_in_dim3A_623 = arith.constant 0.000000e+00 : f32
    %broadcast_in_dim3A_624 = vector.broadcast %broadcast_in_dim3A_623 : f32 to vector<16xf32>
    %swap3A_625 = arith.constant 1664 : index
    %swap3A_626 = tpu.vector_load %arg8[%swap3A_625] {strides = array<i32>} : memref<2048xf32, #tpu.memory_space<vmem>>, vector<16xf32>,
    %swap3A_627 = vector.shape_cast %swap3A_626 : vector<16xf32> to vector<16xf32>
    %swap3A_628 = vector.shape_cast %broadcast_in_dim3A_624 : vector<16xf32> to vector<16xf32>
    tpu.vector_store %arg8[%swap3A_625], %swap3A_628 {strides = array<i32>} : memref<2048xf32, #tpu.memory_space<vmem>>, vector<16xf32>,
    %broadcast_in_dim3A_629 = arith.constant 0.000000e+00 : f32
    %broadcast_in_dim3A_630 = vector.broadcast %broadcast_in_dim3A_629 : f32 to vector<16xf32>
    %swap3A_631 = arith.constant 1680 : index
    %swap3A_632 = tpu.vector_load %arg8[%swap3A_631] {strides = array<i32>} : memref<2048xf32, #tpu.memory_space<vmem>>, vector<16xf32>,
    %swap3A_633 = vector.shape_cast %swap3A_632 : vector<16xf32> to vector<16xf32>
    %swap3A_634 = vector.shape_cast %broadcast_in_dim3A_630 : vector<16xf32> to vector<16xf32>
    tpu.vector_store %arg8[%swap3A_631], %swap3A_634 {strides = array<i32>} : memref<2048xf32, #tpu.memory_space<vmem>>, vector<16xf32>,
    %broadcast_in_dim3A_635 = arith.constant 0.000000e+00 : f32
    %broadcast_in_dim3A_636 = vector.broadcast %broadcast_in_dim3A_635 : f32 to vector<16xf32>
    %swap3A_637 = arith.constant 1696 : index
    %swap3A_638 = tpu.vector_load %arg8[%swap3A_637] {strides = array<i32>} : memref<2048xf32, #tpu.memory_space<vmem>>, vector<16xf32>,
    %swap3A_639 = vector.shape_cast %swap3A_638 : vector<16xf32> to vector<16xf32>
    %swap3A_640 = vector.shape_cast %broadcast_in_dim3A_636 : vector<16xf32> to vector<16xf32>
    tpu.vector_store %arg8[%swap3A_637], %swap3A_640 {strides = array<i32>} : memref<2048xf32, #tpu.memory_space<vmem>>, vector<16xf32>,
    %broadcast_in_dim3A_641 = arith.constant 0.000000e+00 : f32
    %broadcast_in_dim3A_642 = vector.broadcast %broadcast_in_dim3A_641 : f32 to vector<16xf32>
    %swap3A_643 = arith.constant 1712 : index
    %swap3A_644 = tpu.vector_load %arg8[%swap3A_643] {strides = array<i32>} : memref<2048xf32, #tpu.memory_space<vmem>>, vector<16xf32>,
    %swap3A_645 = vector.shape_cast %swap3A_644 : vector<16xf32> to vector<16xf32>
    %swap3A_646 = vector.shape_cast %broadcast_in_dim3A_642 : vector<16xf32> to vector<16xf32>
    tpu.vector_store %arg8[%swap3A_643], %swap3A_646 {strides = array<i32>} : memref<2048xf32, #tpu.memory_space<vmem>>, vector<16xf32>,
    %broadcast_in_dim3A_647 = arith.constant 0.000000e+00 : f32
    %broadcast_in_dim3A_648 = vector.broadcast %broadcast_in_dim3A_647 : f32 to vector<16xf32>
    %swap3A_649 = arith.constant 1728 : index
    %swap3A_650 = tpu.vector_load %arg8[%swap3A_649] {strides = array<i32>} : memref<2048xf32, #tpu.memory_space<vmem>>, vector<16xf32>,
    %swap3A_651 = vector.shape_cast %swap3A_650 : vector<16xf32> to vector<16xf32>
    %swap3A_652 = vector.shape_cast %broadcast_in_dim3A_648 : vector<16xf32> to vector<16xf32>
    tpu.vector_store %arg8[%swap3A_649], %swap3A_652 {strides = array<i32>} : memref<2048xf32, #tpu.memory_space<vmem>>, vector<16xf32>,
    %broadcast_in_dim3A_653 = arith.constant 0.000000e+00 : f32
    %broadcast_in_dim3A_654 = vector.broadcast %broadcast_in_dim3A_653 : f32 to vector<16xf32>
    %swap3A_655 = arith.constant 1744 : index
    %swap3A_656 = tpu.vector_load %arg8[%swap3A_655] {strides = array<i32>} : memref<2048xf32, #tpu.memory_space<vmem>>, vector<16xf32>,
    %swap3A_657 = vector.shape_cast %swap3A_656 : vector<16xf32> to vector<16xf32>
    %swap3A_658 = vector.shape_cast %broadcast_in_dim3A_654 : vector<16xf32> to vector<16xf32>
    tpu.vector_store %arg8[%swap3A_655], %swap3A_658 {strides = array<i32>} : memref<2048xf32, #tpu.memory_space<vmem>>, vector<16xf32>,
    %broadcast_in_dim3A_659 = arith.constant 0.000000e+00 : f32
    %broadcast_in_dim3A_660 = vector.broadcast %broadcast_in_dim3A_659 : f32 to vector<16xf32>
    %swap3A_661 = arith.constant 1760 : index
    %swap3A_662 = tpu.vector_load %arg8[%swap3A_661] {strides = array<i32>} : memref<2048xf32, #tpu.memory_space<vmem>>, vector<16xf32>,
    %swap3A_663 = vector.shape_cast %swap3A_662 : vector<16xf32> to vector<16xf32>
    %swap3A_664 = vector.shape_cast %broadcast_in_dim3A_660 : vector<16xf32> to vector<16xf32>
    tpu.vector_store %arg8[%swap3A_661], %swap3A_664 {strides = array<i32>} : memref<2048xf32, #tpu.memory_space<vmem>>, vector<16xf32>,
    %broadcast_in_dim3A_665 = arith.constant 0.000000e+00 : f32
    %broadcast_in_dim3A_666 = vector.broadcast %broadcast_in_dim3A_665 : f32 to vector<16xf32>
    %swap3A_667 = arith.constant 1776 : index
    %swap3A_668 = tpu.vector_load %arg8[%swap3A_667] {strides = array<i32>} : memref<2048xf32, #tpu.memory_space<vmem>>, vector<16xf32>,
    %swap3A_669 = vector.shape_cast %swap3A_668 : vector<16xf32> to vector<16xf32>
    %swap3A_670 = vector.shape_cast %broadcast_in_dim3A_666 : vector<16xf32> to vector<16xf32>
    tpu.vector_store %arg8[%swap3A_667], %swap3A_670 {strides = array<i32>} : memref<2048xf32, #tpu.memory_space<vmem>>, vector<16xf32>,
    %broadcast_in_dim3A_671 = arith.constant 0.000000e+00 : f32
    %broadcast_in_dim3A_672 = vector.broadcast %broadcast_in_dim3A_671 : f32 to vector<16xf32>
    %swap3A_673 = arith.constant 1792 : index
    %swap3A_674 = tpu.vector_load %arg8[%swap3A_673] {strides = array<i32>} : memref<2048xf32, #tpu.memory_space<vmem>>, vector<16xf32>,
    %swap3A_675 = vector.shape_cast %swap3A_674 : vector<16xf32> to vector<16xf32>
    %swap3A_676 = vector.shape_cast %broadcast_in_dim3A_672 : vector<16xf32> to vector<16xf32>
    tpu.vector_store %arg8[%swap3A_673], %swap3A_676 {strides = array<i32>} : memref<2048xf32, #tpu.memory_space<vmem>>, vector<16xf32>,
    %broadcast_in_dim3A_677 = arith.constant 0.000000e+00 : f32
    %broadcast_in_dim3A_678 = vector.broadcast %broadcast_in_dim3A_677 : f32 to vector<16xf32>
    %swap3A_679 = arith.constant 1808 : index
    %swap3A_680 = tpu.vector_load %arg8[%swap3A_679] {strides = array<i32>} : memref<2048xf32, #tpu.memory_space<vmem>>, vector<16xf32>,
    %swap3A_681 = vector.shape_cast %swap3A_680 : vector<16xf32> to vector<16xf32>
    %swap3A_682 = vector.shape_cast %broadcast_in_dim3A_678 : vector<16xf32> to vector<16xf32>
    tpu.vector_store %arg8[%swap3A_679], %swap3A_682 {strides = array<i32>} : memref<2048xf32, #tpu.memory_space<vmem>>, vector<16xf32>,
    %broadcast_in_dim3A_683 = arith.constant 0.000000e+00 : f32
    %broadcast_in_dim3A_684 = vector.broadcast %broadcast_in_dim3A_683 : f32 to vector<16xf32>
    %swap3A_685 = arith.constant 1824 : index
    %swap3A_686 = tpu.vector_load %arg8[%swap3A_685] {strides = array<i32>} : memref<2048xf32, #tpu.memory_space<vmem>>, vector<16xf32>,
    %swap3A_687 = vector.shape_cast %swap3A_686 : vector<16xf32> to vector<16xf32>
    %swap3A_688 = vector.shape_cast %broadcast_in_dim3A_684 : vector<16xf32> to vector<16xf32>
    tpu.vector_store %arg8[%swap3A_685], %swap3A_688 {strides = array<i32>} : memref<2048xf32, #tpu.memory_space<vmem>>, vector<16xf32>,
    %broadcast_in_dim3A_689 = arith.constant 0.000000e+00 : f32
    %broadcast_in_dim3A_690 = vector.broadcast %broadcast_in_dim3A_689 : f32 to vector<16xf32>
    %swap3A_691 = arith.constant 1840 : index
    %swap3A_692 = tpu.vector_load %arg8[%swap3A_691] {strides = array<i32>} : memref<2048xf32, #tpu.memory_space<vmem>>, vector<16xf32>,
    %swap3A_693 = vector.shape_cast %swap3A_692 : vector<16xf32> to vector<16xf32>
    %swap3A_694 = vector.shape_cast %broadcast_in_dim3A_690 : vector<16xf32> to vector<16xf32>
    tpu.vector_store %arg8[%swap3A_691], %swap3A_694 {strides = array<i32>} : memref<2048xf32, #tpu.memory_space<vmem>>, vector<16xf32>,
    %broadcast_in_dim3A_695 = arith.constant 0.000000e+00 : f32
    %broadcast_in_dim3A_696 = vector.broadcast %broadcast_in_dim3A_695 : f32 to vector<16xf32>
    %swap3A_697 = arith.constant 1856 : index
    %swap3A_698 = tpu.vector_load %arg8[%swap3A_697] {strides = array<i32>} : memref<2048xf32, #tpu.memory_space<vmem>>, vector<16xf32>,
    %swap3A_699 = vector.shape_cast %swap3A_698 : vector<16xf32> to vector<16xf32>
    %swap3A_700 = vector.shape_cast %broadcast_in_dim3A_696 : vector<16xf32> to vector<16xf32>
    tpu.vector_store %arg8[%swap3A_697], %swap3A_700 {strides = array<i32>} : memref<2048xf32, #tpu.memory_space<vmem>>, vector<16xf32>,
    %broadcast_in_dim3A_701 = arith.constant 0.000000e+00 : f32
    %broadcast_in_dim3A_702 = vector.broadcast %broadcast_in_dim3A_701 : f32 to vector<16xf32>
    %swap3A_703 = arith.constant 1872 : index
    %swap3A_704 = tpu.vector_load %arg8[%swap3A_703] {strides = array<i32>} : memref<2048xf32, #tpu.memory_space<vmem>>, vector<16xf32>,
    %swap3A_705 = vector.shape_cast %swap3A_704 : vector<16xf32> to vector<16xf32>
    %swap3A_706 = vector.shape_cast %broadcast_in_dim3A_702 : vector<16xf32> to vector<16xf32>
    tpu.vector_store %arg8[%swap3A_703], %swap3A_706 {strides = array<i32>} : memref<2048xf32, #tpu.memory_space<vmem>>, vector<16xf32>,
    %broadcast_in_dim3A_707 = arith.constant 0.000000e+00 : f32
    %broadcast_in_dim3A_708 = vector.broadcast %broadcast_in_dim3A_707 : f32 to vector<16xf32>
    %swap3A_709 = arith.constant 1888 : index
    %swap3A_710 = tpu.vector_load %arg8[%swap3A_709] {strides = array<i32>} : memref<2048xf32, #tpu.memory_space<vmem>>, vector<16xf32>,
    %swap3A_711 = vector.shape_cast %swap3A_710 : vector<16xf32> to vector<16xf32>
    %swap3A_712 = vector.shape_cast %broadcast_in_dim3A_708 : vector<16xf32> to vector<16xf32>
    tpu.vector_store %arg8[%swap3A_709], %swap3A_712 {strides = array<i32>} : memref<2048xf32, #tpu.memory_space<vmem>>, vector<16xf32>,
    %broadcast_in_dim3A_713 = arith.constant 0.000000e+00 : f32
    %broadcast_in_dim3A_714 = vector.broadcast %broadcast_in_dim3A_713 : f32 to vector<16xf32>
    %swap3A_715 = arith.constant 1904 : index
    %swap3A_716 = tpu.vector_load %arg8[%swap3A_715] {strides = array<i32>} : memref<2048xf32, #tpu.memory_space<vmem>>, vector<16xf32>,
    %swap3A_717 = vector.shape_cast %swap3A_716 : vector<16xf32> to vector<16xf32>
    %swap3A_718 = vector.shape_cast %broadcast_in_dim3A_714 : vector<16xf32> to vector<16xf32>
    tpu.vector_store %arg8[%swap3A_715], %swap3A_718 {strides = array<i32>} : memref<2048xf32, #tpu.memory_space<vmem>>, vector<16xf32>,
    %broadcast_in_dim3A_719 = arith.constant 0.000000e+00 : f32
    %broadcast_in_dim3A_720 = vector.broadcast %broadcast_in_dim3A_719 : f32 to vector<16xf32>
    %swap3A_721 = arith.constant 1920 : index
    %swap3A_722 = tpu.vector_load %arg8[%swap3A_721] {strides = array<i32>} : memref<2048xf32, #tpu.memory_space<vmem>>, vector<16xf32>,
    %swap3A_723 = vector.shape_cast %swap3A_722 : vector<16xf32> to vector<16xf32>
    %swap3A_724 = vector.shape_cast %broadcast_in_dim3A_720 : vector<16xf32> to vector<16xf32>
    tpu.vector_store %arg8[%swap3A_721], %swap3A_724 {strides = array<i32>} : memref<2048xf32, #tpu.memory_space<vmem>>, vector<16xf32>,
    %broadcast_in_dim3A_725 = arith.constant 0.000000e+00 : f32
    %broadcast_in_dim3A_726 = vector.broadcast %broadcast_in_dim3A_725 : f32 to vector<16xf32>
    %swap3A_727 = arith.constant 1936 : index
    %swap3A_728 = tpu.vector_load %arg8[%swap3A_727] {strides = array<i32>} : memref<2048xf32, #tpu.memory_space<vmem>>, vector<16xf32>,
    %swap3A_729 = vector.shape_cast %swap3A_728 : vector<16xf32> to vector<16xf32>
    %swap3A_730 = vector.shape_cast %broadcast_in_dim3A_726 : vector<16xf32> to vector<16xf32>
    tpu.vector_store %arg8[%swap3A_727], %swap3A_730 {strides = array<i32>} : memref<2048xf32, #tpu.memory_space<vmem>>, vector<16xf32>,
    %broadcast_in_dim3A_731 = arith.constant 0.000000e+00 : f32
    %broadcast_in_dim3A_732 = vector.broadcast %broadcast_in_dim3A_731 : f32 to vector<16xf32>
    %swap3A_733 = arith.constant 1952 : index
    %swap3A_734 = tpu.vector_load %arg8[%swap3A_733] {strides = array<i32>} : memref<2048xf32, #tpu.memory_space<vmem>>, vector<16xf32>,
    %swap3A_735 = vector.shape_cast %swap3A_734 : vector<16xf32> to vector<16xf32>
    %swap3A_736 = vector.shape_cast %broadcast_in_dim3A_732 : vector<16xf32> to vector<16xf32>
    tpu.vector_store %arg8[%swap3A_733], %swap3A_736 {strides = array<i32>} : memref<2048xf32, #tpu.memory_space<vmem>>, vector<16xf32>,
    %broadcast_in_dim3A_737 = arith.constant 0.000000e+00 : f32
    %broadcast_in_dim3A_738 = vector.broadcast %broadcast_in_dim3A_737 : f32 to vector<16xf32>
    %swap3A_739 = arith.constant 1968 : index
    %swap3A_740 = tpu.vector_load %arg8[%swap3A_739] {strides = array<i32>} : memref<2048xf32, #tpu.memory_space<vmem>>, vector<16xf32>,
    %swap3A_741 = vector.shape_cast %swap3A_740 : vector<16xf32> to vector<16xf32>
    %swap3A_742 = vector.shape_cast %broadcast_in_dim3A_738 : vector<16xf32> to vector<16xf32>
    tpu.vector_store %arg8[%swap3A_739], %swap3A_742 {strides = array<i32>} : memref<2048xf32, #tpu.memory_space<vmem>>, vector<16xf32>,
    %broadcast_in_dim3A_743 = arith.constant 0.000000e+00 : f32
    %broadcast_in_dim3A_744 = vector.broadcast %broadcast_in_dim3A_743 : f32 to vector<16xf32>
    %swap3A_745 = arith.constant 1984 : index
    %swap3A_746 = tpu.vector_load %arg8[%swap3A_745] {strides = array<i32>} : memref<2048xf32, #tpu.memory_space<vmem>>, vector<16xf32>,
    %swap3A_747 = vector.shape_cast %swap3A_746 : vector<16xf32> to vector<16xf32>
    %swap3A_748 = vector.shape_cast %broadcast_in_dim3A_744 : vector<16xf32> to vector<16xf32>
    tpu.vector_store %arg8[%swap3A_745], %swap3A_748 {strides = array<i32>} : memref<2048xf32, #tpu.memory_space<vmem>>, vector<16xf32>,
    %broadcast_in_dim3A_749 = arith.constant 0.000000e+00 : f32
    %broadcast_in_dim3A_750 = vector.broadcast %broadcast_in_dim3A_749 : f32 to vector<16xf32>
    %swap3A_751 = arith.constant 2000 : index
    %swap3A_752 = tpu.vector_load %arg8[%swap3A_751] {strides = array<i32>} : memref<2048xf32, #tpu.memory_space<vmem>>, vector<16xf32>,
    %swap3A_753 = vector.shape_cast %swap3A_752 : vector<16xf32> to vector<16xf32>
    %swap3A_754 = vector.shape_cast %broadcast_in_dim3A_750 : vector<16xf32> to vector<16xf32>
    tpu.vector_store %arg8[%swap3A_751], %swap3A_754 {strides = array<i32>} : memref<2048xf32, #tpu.memory_space<vmem>>, vector<16xf32>,
    %broadcast_in_dim3A_755 = arith.constant 0.000000e+00 : f32
    %broadcast_in_dim3A_756 = vector.broadcast %broadcast_in_dim3A_755 : f32 to vector<16xf32>
    %swap3A_757 = arith.constant 2016 : index
    %swap3A_758 = tpu.vector_load %arg8[%swap3A_757] {strides = array<i32>} : memref<2048xf32, #tpu.memory_space<vmem>>, vector<16xf32>,
    %swap3A_759 = vector.shape_cast %swap3A_758 : vector<16xf32> to vector<16xf32>
    %swap3A_760 = vector.shape_cast %broadcast_in_dim3A_756 : vector<16xf32> to vector<16xf32>
    tpu.vector_store %arg8[%swap3A_757], %swap3A_760 {strides = array<i32>} : memref<2048xf32, #tpu.memory_space<vmem>>, vector<16xf32>,
    %broadcast_in_dim3A_761 = arith.constant 0.000000e+00 : f32
    %broadcast_in_dim3A_762 = vector.broadcast %broadcast_in_dim3A_761 : f32 to vector<16xf32>
    %swap3A_763 = arith.constant 2032 : index
    %swap3A_764 = tpu.vector_load %arg8[%swap3A_763] {strides = array<i32>} : memref<2048xf32, #tpu.memory_space<vmem>>, vector<16xf32>,
    %swap3A_765 = vector.shape_cast %swap3A_764 : vector<16xf32> to vector<16xf32>
    %swap3A_766 = vector.shape_cast %broadcast_in_dim3A_762 : vector<16xf32> to vector<16xf32>
    tpu.vector_store %arg8[%swap3A_763], %swap3A_766 {strides = array<i32>} : memref<2048xf32, #tpu.memory_space<vmem>>, vector<16xf32>,
    %mul3A_767 = arith.constant 4 : i32
    %mul3A_768 = arith.muli %add3A, %mul3A_767 : i32
    %add3A_769 = arith.constant 0 : i32
    %add3A_770 = arith.addi %mul3A_768, %add3A_769 : i32
    %get3A = arith.index_cast %add3A_770 : i32 to index
    %get3A_771 = tpu.vector_load %arg6[%get3A] {strides = array<i32>} : memref<144xi32, #tpu.memory_space<vmem>>, vector<16xi32>,
    %get3A_772 = vector.shape_cast %get3A_771 : vector<16xi32> to vector<16xi32>
    %slice3A = vector.extract_strided_slice %get3A_772 {offsets = [0], sizes = [1], strides = [1]} : vector<16xi32> to vector<1xi32>
    %squeeze3A = vector.extract %slice3A[0] : i32 from vector<1xi32>
    %multiple_of3A = tpu.assume_multiple %squeeze3A, 128 : i32
    %get3A_773 = arith.index_cast %add3A_770 : i32 to index
    %get3A_774 = tpu.vector_load %arg7[%get3A_773] {strides = array<i32>} : memref<144xi32, #tpu.memory_space<vmem>>, vector<16xi32>,
    %get3A_775 = vector.shape_cast %get3A_774 : vector<16xi32> to vector<16xi32>
    %slice3A_776 = vector.extract_strided_slice %get3A_775 {offsets = [0], sizes = [1], strides = [1]} : vector<16xi32> to vector<1xi32>
    %squeeze3A_777 = vector.extract %slice3A_776[0] : i32 from vector<1xi32>
    %jit3A = arith.constant 16 : i32
    %div3A = arith.divsi %squeeze3A_777, %jit3A : i32
    %sign3A = arith.constant 0 : i32
    %sign3A_778 = arith.cmpi sgt, %squeeze3A_777, %sign3A : i32
    %sign3A_779 = arith.extui %sign3A_778 : i1 to i32
    %sign3A_780 = arith.constant 0 : i32
    %sign3A_781 = arith.cmpi slt, %squeeze3A_777, %sign3A_780 : i32
    %sign3A_782 = arith.extui %sign3A_781 : i1 to i32
    %sign3A_783 = arith.subi %sign3A_779, %sign3A_782 : i32
    %sign3A_784 = arith.constant 0 : i32
    %sign3A_785 = arith.cmpi sgt, %jit3A, %sign3A_784 : i32
    %sign3A_786 = arith.extui %sign3A_785 : i1 to i32
    %sign3A_787 = arith.constant 0 : i32
    %sign3A_788 = arith.cmpi slt, %jit3A, %sign3A_787 : i32
    %sign3A_789 = arith.extui %sign3A_788 : i1 to i32
    %sign3A_790 = arith.subi %sign3A_786, %sign3A_789 : i32
    %ne3A = arith.cmpi ne, %sign3A_783, %sign3A_790 : i32
    %rem3A = arith.remsi %squeeze3A_777, %jit3A : i32
    %ne3A_791 = arith.constant 0 : i32
    %ne3A_792 = arith.cmpi ne, %rem3A, %ne3A_791 : i32
    %and3A = arith.andi %ne3A, %ne3A_792 : i1
    %sub3A = arith.constant 1 : i32
    %sub3A_793 = arith.subi %div3A, %sub3A : i32
    %select_n3A = arith.select %and3A, %sub3A_793, %div3A : i32
    %mul3A_794 = arith.constant 16 : i32
    %mul3A_795 = arith.muli %select_n3A, %mul3A_794 : i32
    %sub3A_796 = arith.subi %squeeze3A_777, %mul3A_795 : i32
    %while3A = arith.constant 0 : i32
    %while3A_797 = arith.constant 0 : i32
    %while3A_798 = arith.subi %select_n3A, %while3A : i32
    %while3A_799 = arith.addi %while3A, %while3A_798 : i32
    %while3A_800 = arith.constant 1 : i32
    %while3A_801 = arith.divsi %while3A_798, %while3A_800 : i32
    %while3A_802 = arith.muli %while3A_801, %while3A_800 : i32
    %while3A_803 = arith.addi %while3A, %while3A_802 : i32
    %while3A_804 = arith.constant 1 : i32
    %while3A_805 = scf.for %while3A_1020 = %while3A to %while3A_803 step %while3A_804 iter_args(%while3A_1021 = %while3A_797) -> (i32)  : i32 {
      %mul3A_1022 = arith.constant 2048 : i32
      %mul3A_1023 = arith.muli %while3A_1020, %mul3A_1022 : i32
      %add3A_1024 = arith.addi %multiple_of3A, %mul3A_1023 : i32
      "tpu.region"() ({
        %run_scoped3A = tpu.sem_alloc : memref<!tpu.dma_semaphore, #tpu.memory_space<semaphore_mem>>
        %dma_start3A = tpu.memref_slice %arg2[%add3A_1024] : memref<33554432xf32, #tpu.memory_space<hbm>> -> memref<2048xf32, #tpu.memory_space<hbm>>
        %dma_start3A_1026 = tpu.memref_slice %arg2[%add3A_1024] : memref<33554432xf32, #tpu.memory_space<hbm>> -> memref<2048xf32, #tpu.memory_space<hbm>>
        tpu.enqueue_dma source(%arg8 : memref<2048xf32, #tpu.memory_space<vmem>>) target(%dma_start3A_1026 : memref<2048xf32, #tpu.memory_space<hbm>>) target_semaphore(%run_scoped3A : memref<!tpu.dma_semaphore, #tpu.memory_space<semaphore_mem>>)
        %dma_wait3A = tpu.memref_slice %arg2[%add3A_1024] : memref<33554432xf32, #tpu.memory_space<hbm>> -> memref<2048xf32, #tpu.memory_space<hbm>>
        %dma_wait3A_1027 = tpu.memref_slice %arg2[%add3A_1024] : memref<33554432xf32, #tpu.memory_space<hbm>> -> memref<2048xf32, #tpu.memory_space<hbm>>
        tpu.wait_dma2 semaphore(%run_scoped3A : memref<!tpu.dma_semaphore, #tpu.memory_space<semaphore_mem>>) src(%arg8 : memref<2048xf32, #tpu.memory_space<vmem>>) dst(%dma_wait3A_1027 : memref<2048xf32, #tpu.memory_space<hbm>>)
        tpu.yield
      }) : () -> ()
      %while3A_1025 = arith.constant 0 : i32
      scf.yield %while3A_1025 : i32
    }
    %while3A_806 = arith.constant 1 : i32
    %while3A_807 = scf.for %while3A_1020 = %while3A_803 to %while3A_799 step %while3A_806 iter_args(%while3A_1021 = %while3A_805) -> (i32)  : i32 {
      %mul3A_1022 = arith.constant 2048 : i32
      %mul3A_1023 = arith.muli %while3A_1020, %mul3A_1022 : i32
      %add3A_1024 = arith.addi %multiple_of3A, %mul3A_1023 : i32
      "tpu.region"() ({
        %run_scoped3A = tpu.sem_alloc : memref<!tpu.dma_semaphore, #tpu.memory_space<semaphore_mem>>
        %dma_start3A = tpu.memref_slice %arg2[%add3A_1024] : memref<33554432xf32, #tpu.memory_space<hbm>> -> memref<2048xf32, #tpu.memory_space<hbm>>
        %dma_start3A_1026 = tpu.memref_slice %arg2[%add3A_1024] : memref<33554432xf32, #tpu.memory_space<hbm>> -> memref<2048xf32, #tpu.memory_space<hbm>>
        tpu.enqueue_dma source(%arg8 : memref<2048xf32, #tpu.memory_space<vmem>>) target(%dma_start3A_1026 : memref<2048xf32, #tpu.memory_space<hbm>>) target_semaphore(%run_scoped3A : memref<!tpu.dma_semaphore, #tpu.memory_space<semaphore_mem>>)
        %dma_wait3A = tpu.memref_slice %arg2[%add3A_1024] : memref<33554432xf32, #tpu.memory_space<hbm>> -> memref<2048xf32, #tpu.memory_space<hbm>>
        %dma_wait3A_1027 = tpu.memref_slice %arg2[%add3A_1024] : memref<33554432xf32, #tpu.memory_space<hbm>> -> memref<2048xf32, #tpu.memory_space<hbm>>
        tpu.wait_dma2 semaphore(%run_scoped3A : memref<!tpu.dma_semaphore, #tpu.memory_space<semaphore_mem>>) src(%arg8 : memref<2048xf32, #tpu.memory_space<vmem>>) dst(%dma_wait3A_1027 : memref<2048xf32, #tpu.memory_space<hbm>>)
        tpu.yield
      }) : () -> ()
      %while3A_1025 = arith.constant 0 : i32
      scf.yield %while3A_1025 : i32
    }
    %while3A_808 = arith.constant 0 : i32
    %while3A_809 = arith.constant 0 : i32
    %while3A_810 = arith.subi %sub3A_796, %while3A_808 : i32
    %while3A_811 = arith.addi %while3A_808, %while3A_810 : i32
    %while3A_812 = arith.constant 1 : i32
    %while3A_813 = arith.divsi %while3A_810, %while3A_812 : i32
    %while3A_814 = arith.muli %while3A_813, %while3A_812 : i32
    %while3A_815 = arith.addi %while3A_808, %while3A_814 : i32
    %while3A_816 = arith.constant 1 : i32
    %while3A_817 = scf.for %while3A_1020 = %while3A_808 to %while3A_815 step %while3A_816 iter_args(%while3A_1021 = %while3A_809) -> (i32)  : i32 {
      %mul3A_1022 = arith.constant 16 : i32
      %mul3A_1023 = arith.muli %select_n3A, %mul3A_1022 : i32
      %add3A_1024 = arith.addi %mul3A_1023, %while3A_1020 : i32
      %mul3A_1025 = arith.constant 128 : i32
      %mul3A_1026 = arith.muli %add3A_1024, %mul3A_1025 : i32
      %add3A_1027 = arith.addi %multiple_of3A, %mul3A_1026 : i32
      "tpu.region"() ({
        %run_scoped3A = tpu.sem_alloc : memref<!tpu.dma_semaphore, #tpu.memory_space<semaphore_mem>>
        %dma_start3A = arith.constant 0 : i32
        %dma_start3A_1029 = tpu.memref_slice %arg8[%dma_start3A] : memref<2048xf32, #tpu.memory_space<vmem>> -> memref<128xf32, #tpu.memory_space<vmem>>
        %dma_start3A_1030 = tpu.memref_slice %arg2[%add3A_1027] : memref<33554432xf32, #tpu.memory_space<hbm>> -> memref<128xf32, #tpu.memory_space<hbm>>
        %dma_start3A_1031 = tpu.memref_slice %arg2[%add3A_1027] : memref<33554432xf32, #tpu.memory_space<hbm>> -> memref<128xf32, #tpu.memory_space<hbm>>
        %dma_start3A_1032 = arith.constant 0 : i32
        %dma_start3A_1033 = tpu.memref_slice %arg8[%dma_start3A_1032] : memref<2048xf32, #tpu.memory_space<vmem>> -> memref<128xf32, #tpu.memory_space<vmem>>
        tpu.enqueue_dma source(%dma_start3A_1033 : memref<128xf32, #tpu.memory_space<vmem>>) target(%dma_start3A_1031 : memref<128xf32, #tpu.memory_space<hbm>>) target_semaphore(%run_scoped3A : memref<!tpu.dma_semaphore, #tpu.memory_space<semaphore_mem>>)
        %dma_wait3A = arith.constant 0 : i32
        %dma_wait3A_1034 = tpu.memref_slice %arg8[%dma_wait3A] : memref<2048xf32, #tpu.memory_space<vmem>> -> memref<128xf32, #tpu.memory_space<vmem>>
        %dma_wait3A_1035 = tpu.memref_slice %arg2[%add3A_1027] : memref<33554432xf32, #tpu.memory_space<hbm>> -> memref<128xf32, #tpu.memory_space<hbm>>
        %dma_wait3A_1036 = tpu.memref_slice %arg2[%add3A_1027] : memref<33554432xf32, #tpu.memory_space<hbm>> -> memref<128xf32, #tpu.memory_space<hbm>>
        %dma_wait3A_1037 = arith.constant 0 : i32
        %dma_wait3A_1038 = tpu.memref_slice %arg8[%dma_wait3A_1037] : memref<2048xf32, #tpu.memory_space<vmem>> -> memref<128xf32, #tpu.memory_space<vmem>>
        tpu.wait_dma2 semaphore(%run_scoped3A : memref<!tpu.dma_semaphore, #tpu.memory_space<semaphore_mem>>) src(%dma_wait3A_1038 : memref<128xf32, #tpu.memory_space<vmem>>) dst(%dma_wait3A_1036 : memref<128xf32, #tpu.memory_space<hbm>>)
        tpu.yield
      }) : () -> ()
      %while3A_1028 = arith.constant 0 : i32
      scf.yield %while3A_1028 : i32
    }
    %while3A_818 = arith.constant 1 : i32
    %while3A_819 = scf.for %while3A_1020 = %while3A_815 to %while3A_811 step %while3A_818 iter_args(%while3A_1021 = %while3A_817) -> (i32)  : i32 {
      %mul3A_1022 = arith.constant 16 : i32
      %mul3A_1023 = arith.muli %select_n3A, %mul3A_1022 : i32
      %add3A_1024 = arith.addi %mul3A_1023, %while3A_1020 : i32
      %mul3A_1025 = arith.constant 128 : i32
      %mul3A_1026 = arith.muli %add3A_1024, %mul3A_1025 : i32
      %add3A_1027 = arith.addi %multiple_of3A, %mul3A_1026 : i32
      "tpu.region"() ({
        %run_scoped3A = tpu.sem_alloc : memref<!tpu.dma_semaphore, #tpu.memory_space<semaphore_mem>>
        %dma_start3A = arith.constant 0 : i32
        %dma_start3A_1029 = tpu.memref_slice %arg8[%dma_start3A] : memref<2048xf32, #tpu.memory_space<vmem>> -> memref<128xf32, #tpu.memory_space<vmem>>
        %dma_start3A_1030 = tpu.memref_slice %arg2[%add3A_1027] : memref<33554432xf32, #tpu.memory_space<hbm>> -> memref<128xf32, #tpu.memory_space<hbm>>
        %dma_start3A_1031 = tpu.memref_slice %arg2[%add3A_1027] : memref<33554432xf32, #tpu.memory_space<hbm>> -> memref<128xf32, #tpu.memory_space<hbm>>
        %dma_start3A_1032 = arith.constant 0 : i32
        %dma_start3A_1033 = tpu.memref_slice %arg8[%dma_start3A_1032] : memref<2048xf32, #tpu.memory_space<vmem>> -> memref<128xf32, #tpu.memory_space<vmem>>
        tpu.enqueue_dma source(%dma_start3A_1033 : memref<128xf32, #tpu.memory_space<vmem>>) target(%dma_start3A_1031 : memref<128xf32, #tpu.memory_space<hbm>>) target_semaphore(%run_scoped3A : memref<!tpu.dma_semaphore, #tpu.memory_space<semaphore_mem>>)
        %dma_wait3A = arith.constant 0 : i32
        %dma_wait3A_1034 = tpu.memref_slice %arg8[%dma_wait3A] : memref<2048xf32, #tpu.memory_space<vmem>> -> memref<128xf32, #tpu.memory_space<vmem>>
        %dma_wait3A_1035 = tpu.memref_slice %arg2[%add3A_1027] : memref<33554432xf32, #tpu.memory_space<hbm>> -> memref<128xf32, #tpu.memory_space<hbm>>
        %dma_wait3A_1036 = tpu.memref_slice %arg2[%add3A_1027] : memref<33554432xf32, #tpu.memory_space<hbm>> -> memref<128xf32, #tpu.memory_space<hbm>>
        %dma_wait3A_1037 = arith.constant 0 : i32
        %dma_wait3A_1038 = tpu.memref_slice %arg8[%dma_wait3A_1037] : memref<2048xf32, #tpu.memory_space<vmem>> -> memref<128xf32, #tpu.memory_space<vmem>>
        tpu.wait_dma2 semaphore(%run_scoped3A : memref<!tpu.dma_semaphore, #tpu.memory_space<semaphore_mem>>) src(%dma_wait3A_1038 : memref<128xf32, #tpu.memory_space<vmem>>) dst(%dma_wait3A_1036 : memref<128xf32, #tpu.memory_space<hbm>>)
        tpu.yield
      }) : () -> ()
      %while3A_1028 = arith.constant 0 : i32
      scf.yield %while3A_1028 : i32
    }
    %mul3A_820 = arith.constant 4 : i32
    %mul3A_821 = arith.muli %add3A, %mul3A_820 : i32
    %add3A_822 = arith.constant 1 : i32
    %add3A_823 = arith.addi %mul3A_821, %add3A_822 : i32
    %get3A_824 = arith.index_cast %add3A_823 : i32 to index
    %get3A_825 = tpu.vector_load %arg6[%get3A_824] {strides = array<i32>} : memref<144xi32, #tpu.memory_space<vmem>>, vector<16xi32>,
    %get3A_826 = vector.shape_cast %get3A_825 : vector<16xi32> to vector<16xi32>
    %slice3A_827 = vector.extract_strided_slice %get3A_826 {offsets = [0], sizes = [1], strides = [1]} : vector<16xi32> to vector<1xi32>
    %squeeze3A_828 = vector.extract %slice3A_827[0] : i32 from vector<1xi32>
    %multiple_of3A_829 = tpu.assume_multiple %squeeze3A_828, 128 : i32
    %get3A_830 = arith.index_cast %add3A_823 : i32 to index
    %get3A_831 = tpu.vector_load %arg7[%get3A_830] {strides = array<i32>} : memref<144xi32, #tpu.memory_space<vmem>>, vector<16xi32>,
    %get3A_832 = vector.shape_cast %get3A_831 : vector<16xi32> to vector<16xi32>
    %slice3A_833 = vector.extract_strided_slice %get3A_832 {offsets = [0], sizes = [1], strides = [1]} : vector<16xi32> to vector<1xi32>
    %squeeze3A_834 = vector.extract %slice3A_833[0] : i32 from vector<1xi32>
    %jit3A_835 = arith.constant 16 : i32
    %div3A_836 = arith.divsi %squeeze3A_834, %jit3A_835 : i32
    %sign3A_837 = arith.constant 0 : i32
    %sign3A_838 = arith.cmpi sgt, %squeeze3A_834, %sign3A_837 : i32
    %sign3A_839 = arith.extui %sign3A_838 : i1 to i32
    %sign3A_840 = arith.constant 0 : i32
    %sign3A_841 = arith.cmpi slt, %squeeze3A_834, %sign3A_840 : i32
    %sign3A_842 = arith.extui %sign3A_841 : i1 to i32
    %sign3A_843 = arith.subi %sign3A_839, %sign3A_842 : i32
    %sign3A_844 = arith.constant 0 : i32
    %sign3A_845 = arith.cmpi sgt, %jit3A_835, %sign3A_844 : i32
    %sign3A_846 = arith.extui %sign3A_845 : i1 to i32
    %sign3A_847 = arith.constant 0 : i32
    %sign3A_848 = arith.cmpi slt, %jit3A_835, %sign3A_847 : i32
    %sign3A_849 = arith.extui %sign3A_848 : i1 to i32
    %sign3A_850 = arith.subi %sign3A_846, %sign3A_849 : i32
    %ne3A_851 = arith.cmpi ne, %sign3A_843, %sign3A_850 : i32
    %rem3A_852 = arith.remsi %squeeze3A_834, %jit3A_835 : i32
    %ne3A_853 = arith.constant 0 : i32
    %ne3A_854 = arith.cmpi ne, %rem3A_852, %ne3A_853 : i32
    %and3A_855 = arith.andi %ne3A_851, %ne3A_854 : i1
    %sub3A_856 = arith.constant 1 : i32
    %sub3A_857 = arith.subi %div3A_836, %sub3A_856 : i32
    %select_n3A_858 = arith.select %and3A_855, %sub3A_857, %div3A_836 : i32
    %mul3A_859 = arith.constant 16 : i32
    %mul3A_860 = arith.muli %select_n3A_858, %mul3A_859 : i32
    %sub3A_861 = arith.subi %squeeze3A_834, %mul3A_860 : i32
    %while3A_862 = arith.constant 0 : i32
    %while3A_863 = arith.constant 0 : i32
    %while3A_864 = arith.subi %select_n3A_858, %while3A_862 : i32
    %while3A_865 = arith.addi %while3A_862, %while3A_864 : i32
    %while3A_866 = arith.constant 1 : i32
    %while3A_867 = arith.divsi %while3A_864, %while3A_866 : i32
    %while3A_868 = arith.muli %while3A_867, %while3A_866 : i32
    %while3A_869 = arith.addi %while3A_862, %while3A_868 : i32
    %while3A_870 = arith.constant 1 : i32
    %while3A_871 = scf.for %while3A_1020 = %while3A_862 to %while3A_869 step %while3A_870 iter_args(%while3A_1021 = %while3A_863) -> (i32)  : i32 {
      %mul3A_1022 = arith.constant 2048 : i32
      %mul3A_1023 = arith.muli %while3A_1020, %mul3A_1022 : i32
      %add3A_1024 = arith.addi %multiple_of3A_829, %mul3A_1023 : i32
      "tpu.region"() ({
        %run_scoped3A = tpu.sem_alloc : memref<!tpu.dma_semaphore, #tpu.memory_space<semaphore_mem>>
        %dma_start3A = tpu.memref_slice %arg2[%add3A_1024] : memref<33554432xf32, #tpu.memory_space<hbm>> -> memref<2048xf32, #tpu.memory_space<hbm>>
        %dma_start3A_1026 = tpu.memref_slice %arg2[%add3A_1024] : memref<33554432xf32, #tpu.memory_space<hbm>> -> memref<2048xf32, #tpu.memory_space<hbm>>
        tpu.enqueue_dma source(%arg8 : memref<2048xf32, #tpu.memory_space<vmem>>) target(%dma_start3A_1026 : memref<2048xf32, #tpu.memory_space<hbm>>) target_semaphore(%run_scoped3A : memref<!tpu.dma_semaphore, #tpu.memory_space<semaphore_mem>>)
        %dma_wait3A = tpu.memref_slice %arg2[%add3A_1024] : memref<33554432xf32, #tpu.memory_space<hbm>> -> memref<2048xf32, #tpu.memory_space<hbm>>
        %dma_wait3A_1027 = tpu.memref_slice %arg2[%add3A_1024] : memref<33554432xf32, #tpu.memory_space<hbm>> -> memref<2048xf32, #tpu.memory_space<hbm>>
        tpu.wait_dma2 semaphore(%run_scoped3A : memref<!tpu.dma_semaphore, #tpu.memory_space<semaphore_mem>>) src(%arg8 : memref<2048xf32, #tpu.memory_space<vmem>>) dst(%dma_wait3A_1027 : memref<2048xf32, #tpu.memory_space<hbm>>)
        tpu.yield
      }) : () -> ()
      %while3A_1025 = arith.constant 0 : i32
      scf.yield %while3A_1025 : i32
    }
    %while3A_872 = arith.constant 1 : i32
    %while3A_873 = scf.for %while3A_1020 = %while3A_869 to %while3A_865 step %while3A_872 iter_args(%while3A_1021 = %while3A_871) -> (i32)  : i32 {
      %mul3A_1022 = arith.constant 2048 : i32
      %mul3A_1023 = arith.muli %while3A_1020, %mul3A_1022 : i32
      %add3A_1024 = arith.addi %multiple_of3A_829, %mul3A_1023 : i32
      "tpu.region"() ({
        %run_scoped3A = tpu.sem_alloc : memref<!tpu.dma_semaphore, #tpu.memory_space<semaphore_mem>>
        %dma_start3A = tpu.memref_slice %arg2[%add3A_1024] : memref<33554432xf32, #tpu.memory_space<hbm>> -> memref<2048xf32, #tpu.memory_space<hbm>>
        %dma_start3A_1026 = tpu.memref_slice %arg2[%add3A_1024] : memref<33554432xf32, #tpu.memory_space<hbm>> -> memref<2048xf32, #tpu.memory_space<hbm>>
        tpu.enqueue_dma source(%arg8 : memref<2048xf32, #tpu.memory_space<vmem>>) target(%dma_start3A_1026 : memref<2048xf32, #tpu.memory_space<hbm>>) target_semaphore(%run_scoped3A : memref<!tpu.dma_semaphore, #tpu.memory_space<semaphore_mem>>)
        %dma_wait3A = tpu.memref_slice %arg2[%add3A_1024] : memref<33554432xf32, #tpu.memory_space<hbm>> -> memref<2048xf32, #tpu.memory_space<hbm>>
        %dma_wait3A_1027 = tpu.memref_slice %arg2[%add3A_1024] : memref<33554432xf32, #tpu.memory_space<hbm>> -> memref<2048xf32, #tpu.memory_space<hbm>>
        tpu.wait_dma2 semaphore(%run_scoped3A : memref<!tpu.dma_semaphore, #tpu.memory_space<semaphore_mem>>) src(%arg8 : memref<2048xf32, #tpu.memory_space<vmem>>) dst(%dma_wait3A_1027 : memref<2048xf32, #tpu.memory_space<hbm>>)
        tpu.yield
      }) : () -> ()
      %while3A_1025 = arith.constant 0 : i32
      scf.yield %while3A_1025 : i32
    }
    %while3A_874 = arith.constant 0 : i32
    %while3A_875 = arith.constant 0 : i32
    %while3A_876 = arith.subi %sub3A_861, %while3A_874 : i32
    %while3A_877 = arith.addi %while3A_874, %while3A_876 : i32
    %while3A_878 = arith.constant 1 : i32
    %while3A_879 = arith.divsi %while3A_876, %while3A_878 : i32
    %while3A_880 = arith.muli %while3A_879, %while3A_878 : i32
    %while3A_881 = arith.addi %while3A_874, %while3A_880 : i32
    %while3A_882 = arith.constant 1 : i32
    %while3A_883 = scf.for %while3A_1020 = %while3A_874 to %while3A_881 step %while3A_882 iter_args(%while3A_1021 = %while3A_875) -> (i32)  : i32 {
      %mul3A_1022 = arith.constant 16 : i32
      %mul3A_1023 = arith.muli %select_n3A_858, %mul3A_1022 : i32
      %add3A_1024 = arith.addi %mul3A_1023, %while3A_1020 : i32
      %mul3A_1025 = arith.constant 128 : i32
      %mul3A_1026 = arith.muli %add3A_1024, %mul3A_1025 : i32
      %add3A_1027 = arith.addi %multiple_of3A_829, %mul3A_1026 : i32
      "tpu.region"() ({
        %run_scoped3A = tpu.sem_alloc : memref<!tpu.dma_semaphore, #tpu.memory_space<semaphore_mem>>
        %dma_start3A = arith.constant 0 : i32
        %dma_start3A_1029 = tpu.memref_slice %arg8[%dma_start3A] : memref<2048xf32, #tpu.memory_space<vmem>> -> memref<128xf32, #tpu.memory_space<vmem>>
        %dma_start3A_1030 = tpu.memref_slice %arg2[%add3A_1027] : memref<33554432xf32, #tpu.memory_space<hbm>> -> memref<128xf32, #tpu.memory_space<hbm>>
        %dma_start3A_1031 = tpu.memref_slice %arg2[%add3A_1027] : memref<33554432xf32, #tpu.memory_space<hbm>> -> memref<128xf32, #tpu.memory_space<hbm>>
        %dma_start3A_1032 = arith.constant 0 : i32
        %dma_start3A_1033 = tpu.memref_slice %arg8[%dma_start3A_1032] : memref<2048xf32, #tpu.memory_space<vmem>> -> memref<128xf32, #tpu.memory_space<vmem>>
        tpu.enqueue_dma source(%dma_start3A_1033 : memref<128xf32, #tpu.memory_space<vmem>>) target(%dma_start3A_1031 : memref<128xf32, #tpu.memory_space<hbm>>) target_semaphore(%run_scoped3A : memref<!tpu.dma_semaphore, #tpu.memory_space<semaphore_mem>>)
        %dma_wait3A = arith.constant 0 : i32
        %dma_wait3A_1034 = tpu.memref_slice %arg8[%dma_wait3A] : memref<2048xf32, #tpu.memory_space<vmem>> -> memref<128xf32, #tpu.memory_space<vmem>>
        %dma_wait3A_1035 = tpu.memref_slice %arg2[%add3A_1027] : memref<33554432xf32, #tpu.memory_space<hbm>> -> memref<128xf32, #tpu.memory_space<hbm>>
        %dma_wait3A_1036 = tpu.memref_slice %arg2[%add3A_1027] : memref<33554432xf32, #tpu.memory_space<hbm>> -> memref<128xf32, #tpu.memory_space<hbm>>
        %dma_wait3A_1037 = arith.constant 0 : i32
        %dma_wait3A_1038 = tpu.memref_slice %arg8[%dma_wait3A_1037] : memref<2048xf32, #tpu.memory_space<vmem>> -> memref<128xf32, #tpu.memory_space<vmem>>
        tpu.wait_dma2 semaphore(%run_scoped3A : memref<!tpu.dma_semaphore, #tpu.memory_space<semaphore_mem>>) src(%dma_wait3A_1038 : memref<128xf32, #tpu.memory_space<vmem>>) dst(%dma_wait3A_1036 : memref<128xf32, #tpu.memory_space<hbm>>)
        tpu.yield
      }) : () -> ()
      %while3A_1028 = arith.constant 0 : i32
      scf.yield %while3A_1028 : i32
    }
    %while3A_884 = arith.constant 1 : i32
    %while3A_885 = scf.for %while3A_1020 = %while3A_881 to %while3A_877 step %while3A_884 iter_args(%while3A_1021 = %while3A_883) -> (i32)  : i32 {
      %mul3A_1022 = arith.constant 16 : i32
      %mul3A_1023 = arith.muli %select_n3A_858, %mul3A_1022 : i32
      %add3A_1024 = arith.addi %mul3A_1023, %while3A_1020 : i32
      %mul3A_1025 = arith.constant 128 : i32
      %mul3A_1026 = arith.muli %add3A_1024, %mul3A_1025 : i32
      %add3A_1027 = arith.addi %multiple_of3A_829, %mul3A_1026 : i32
      "tpu.region"() ({
        %run_scoped3A = tpu.sem_alloc : memref<!tpu.dma_semaphore, #tpu.memory_space<semaphore_mem>>
        %dma_start3A = arith.constant 0 : i32
        %dma_start3A_1029 = tpu.memref_slice %arg8[%dma_start3A] : memref<2048xf32, #tpu.memory_space<vmem>> -> memref<128xf32, #tpu.memory_space<vmem>>
        %dma_start3A_1030 = tpu.memref_slice %arg2[%add3A_1027] : memref<33554432xf32, #tpu.memory_space<hbm>> -> memref<128xf32, #tpu.memory_space<hbm>>
        %dma_start3A_1031 = tpu.memref_slice %arg2[%add3A_1027] : memref<33554432xf32, #tpu.memory_space<hbm>> -> memref<128xf32, #tpu.memory_space<hbm>>
        %dma_start3A_1032 = arith.constant 0 : i32
        %dma_start3A_1033 = tpu.memref_slice %arg8[%dma_start3A_1032] : memref<2048xf32, #tpu.memory_space<vmem>> -> memref<128xf32, #tpu.memory_space<vmem>>
        tpu.enqueue_dma source(%dma_start3A_1033 : memref<128xf32, #tpu.memory_space<vmem>>) target(%dma_start3A_1031 : memref<128xf32, #tpu.memory_space<hbm>>) target_semaphore(%run_scoped3A : memref<!tpu.dma_semaphore, #tpu.memory_space<semaphore_mem>>)
        %dma_wait3A = arith.constant 0 : i32
        %dma_wait3A_1034 = tpu.memref_slice %arg8[%dma_wait3A] : memref<2048xf32, #tpu.memory_space<vmem>> -> memref<128xf32, #tpu.memory_space<vmem>>
        %dma_wait3A_1035 = tpu.memref_slice %arg2[%add3A_1027] : memref<33554432xf32, #tpu.memory_space<hbm>> -> memref<128xf32, #tpu.memory_space<hbm>>
        %dma_wait3A_1036 = tpu.memref_slice %arg2[%add3A_1027] : memref<33554432xf32, #tpu.memory_space<hbm>> -> memref<128xf32, #tpu.memory_space<hbm>>
        %dma_wait3A_1037 = arith.constant 0 : i32
        %dma_wait3A_1038 = tpu.memref_slice %arg8[%dma_wait3A_1037] : memref<2048xf32, #tpu.memory_space<vmem>> -> memref<128xf32, #tpu.memory_space<vmem>>
        tpu.wait_dma2 semaphore(%run_scoped3A : memref<!tpu.dma_semaphore, #tpu.memory_space<semaphore_mem>>) src(%dma_wait3A_1038 : memref<128xf32, #tpu.memory_space<vmem>>) dst(%dma_wait3A_1036 : memref<128xf32, #tpu.memory_space<hbm>>)
        tpu.yield
      }) : () -> ()
      %while3A_1028 = arith.constant 0 : i32
      scf.yield %while3A_1028 : i32
    }
    %mul3A_886 = arith.constant 4 : i32
    %mul3A_887 = arith.muli %add3A, %mul3A_886 : i32
    %add3A_888 = arith.constant 2 : i32
    %add3A_889 = arith.addi %mul3A_887, %add3A_888 : i32
    %get3A_890 = arith.index_cast %add3A_889 : i32 to index
    %get3A_891 = tpu.vector_load %arg6[%get3A_890] {strides = array<i32>} : memref<144xi32, #tpu.memory_space<vmem>>, vector<16xi32>,
    %get3A_892 = vector.shape_cast %get3A_891 : vector<16xi32> to vector<16xi32>
    %slice3A_893 = vector.extract_strided_slice %get3A_892 {offsets = [0], sizes = [1], strides = [1]} : vector<16xi32> to vector<1xi32>
    %squeeze3A_894 = vector.extract %slice3A_893[0] : i32 from vector<1xi32>
    %multiple_of3A_895 = tpu.assume_multiple %squeeze3A_894, 128 : i32
    %get3A_896 = arith.index_cast %add3A_889 : i32 to index
    %get3A_897 = tpu.vector_load %arg7[%get3A_896] {strides = array<i32>} : memref<144xi32, #tpu.memory_space<vmem>>, vector<16xi32>,
    %get3A_898 = vector.shape_cast %get3A_897 : vector<16xi32> to vector<16xi32>
    %slice3A_899 = vector.extract_strided_slice %get3A_898 {offsets = [0], sizes = [1], strides = [1]} : vector<16xi32> to vector<1xi32>
    %squeeze3A_900 = vector.extract %slice3A_899[0] : i32 from vector<1xi32>
    %jit3A_901 = arith.constant 16 : i32
    %div3A_902 = arith.divsi %squeeze3A_900, %jit3A_901 : i32
    %sign3A_903 = arith.constant 0 : i32
    %sign3A_904 = arith.cmpi sgt, %squeeze3A_900, %sign3A_903 : i32
    %sign3A_905 = arith.extui %sign3A_904 : i1 to i32
    %sign3A_906 = arith.constant 0 : i32
    %sign3A_907 = arith.cmpi slt, %squeeze3A_900, %sign3A_906 : i32
    %sign3A_908 = arith.extui %sign3A_907 : i1 to i32
    %sign3A_909 = arith.subi %sign3A_905, %sign3A_908 : i32
    %sign3A_910 = arith.constant 0 : i32
    %sign3A_911 = arith.cmpi sgt, %jit3A_901, %sign3A_910 : i32
    %sign3A_912 = arith.extui %sign3A_911 : i1 to i32
    %sign3A_913 = arith.constant 0 : i32
    %sign3A_914 = arith.cmpi slt, %jit3A_901, %sign3A_913 : i32
    %sign3A_915 = arith.extui %sign3A_914 : i1 to i32
    %sign3A_916 = arith.subi %sign3A_912, %sign3A_915 : i32
    %ne3A_917 = arith.cmpi ne, %sign3A_909, %sign3A_916 : i32
    %rem3A_918 = arith.remsi %squeeze3A_900, %jit3A_901 : i32
    %ne3A_919 = arith.constant 0 : i32
    %ne3A_920 = arith.cmpi ne, %rem3A_918, %ne3A_919 : i32
    %and3A_921 = arith.andi %ne3A_917, %ne3A_920 : i1
    %sub3A_922 = arith.constant 1 : i32
    %sub3A_923 = arith.subi %div3A_902, %sub3A_922 : i32
    %select_n3A_924 = arith.select %and3A_921, %sub3A_923, %div3A_902 : i32
    %mul3A_925 = arith.constant 16 : i32
    %mul3A_926 = arith.muli %select_n3A_924, %mul3A_925 : i32
    %sub3A_927 = arith.subi %squeeze3A_900, %mul3A_926 : i32
    %while3A_928 = arith.constant 0 : i32
    %while3A_929 = arith.constant 0 : i32
    %while3A_930 = arith.subi %select_n3A_924, %while3A_928 : i32
    %while3A_931 = arith.addi %while3A_928, %while3A_930 : i32
    %while3A_932 = arith.constant 1 : i32
    %while3A_933 = arith.divsi %while3A_930, %while3A_932 : i32
    %while3A_934 = arith.muli %while3A_933, %while3A_932 : i32
    %while3A_935 = arith.addi %while3A_928, %while3A_934 : i32
    %while3A_936 = arith.constant 1 : i32
    %while3A_937 = scf.for %while3A_1020 = %while3A_928 to %while3A_935 step %while3A_936 iter_args(%while3A_1021 = %while3A_929) -> (i32)  : i32 {
      %mul3A_1022 = arith.constant 2048 : i32
      %mul3A_1023 = arith.muli %while3A_1020, %mul3A_1022 : i32
      %add3A_1024 = arith.addi %multiple_of3A_895, %mul3A_1023 : i32
      "tpu.region"() ({
        %run_scoped3A = tpu.sem_alloc : memref<!tpu.dma_semaphore, #tpu.memory_space<semaphore_mem>>
        %dma_start3A = tpu.memref_slice %arg2[%add3A_1024] : memref<33554432xf32, #tpu.memory_space<hbm>> -> memref<2048xf32, #tpu.memory_space<hbm>>
        %dma_start3A_1026 = tpu.memref_slice %arg2[%add3A_1024] : memref<33554432xf32, #tpu.memory_space<hbm>> -> memref<2048xf32, #tpu.memory_space<hbm>>
        tpu.enqueue_dma source(%arg8 : memref<2048xf32, #tpu.memory_space<vmem>>) target(%dma_start3A_1026 : memref<2048xf32, #tpu.memory_space<hbm>>) target_semaphore(%run_scoped3A : memref<!tpu.dma_semaphore, #tpu.memory_space<semaphore_mem>>)
        %dma_wait3A = tpu.memref_slice %arg2[%add3A_1024] : memref<33554432xf32, #tpu.memory_space<hbm>> -> memref<2048xf32, #tpu.memory_space<hbm>>
        %dma_wait3A_1027 = tpu.memref_slice %arg2[%add3A_1024] : memref<33554432xf32, #tpu.memory_space<hbm>> -> memref<2048xf32, #tpu.memory_space<hbm>>
        tpu.wait_dma2 semaphore(%run_scoped3A : memref<!tpu.dma_semaphore, #tpu.memory_space<semaphore_mem>>) src(%arg8 : memref<2048xf32, #tpu.memory_space<vmem>>) dst(%dma_wait3A_1027 : memref<2048xf32, #tpu.memory_space<hbm>>)
        tpu.yield
      }) : () -> ()
      %while3A_1025 = arith.constant 0 : i32
      scf.yield %while3A_1025 : i32
    }
    %while3A_938 = arith.constant 1 : i32
    %while3A_939 = scf.for %while3A_1020 = %while3A_935 to %while3A_931 step %while3A_938 iter_args(%while3A_1021 = %while3A_937) -> (i32)  : i32 {
      %mul3A_1022 = arith.constant 2048 : i32
      %mul3A_1023 = arith.muli %while3A_1020, %mul3A_1022 : i32
      %add3A_1024 = arith.addi %multiple_of3A_895, %mul3A_1023 : i32
      "tpu.region"() ({
        %run_scoped3A = tpu.sem_alloc : memref<!tpu.dma_semaphore, #tpu.memory_space<semaphore_mem>>
        %dma_start3A = tpu.memref_slice %arg2[%add3A_1024] : memref<33554432xf32, #tpu.memory_space<hbm>> -> memref<2048xf32, #tpu.memory_space<hbm>>
        %dma_start3A_1026 = tpu.memref_slice %arg2[%add3A_1024] : memref<33554432xf32, #tpu.memory_space<hbm>> -> memref<2048xf32, #tpu.memory_space<hbm>>
        tpu.enqueue_dma source(%arg8 : memref<2048xf32, #tpu.memory_space<vmem>>) target(%dma_start3A_1026 : memref<2048xf32, #tpu.memory_space<hbm>>) target_semaphore(%run_scoped3A : memref<!tpu.dma_semaphore, #tpu.memory_space<semaphore_mem>>)
        %dma_wait3A = tpu.memref_slice %arg2[%add3A_1024] : memref<33554432xf32, #tpu.memory_space<hbm>> -> memref<2048xf32, #tpu.memory_space<hbm>>
        %dma_wait3A_1027 = tpu.memref_slice %arg2[%add3A_1024] : memref<33554432xf32, #tpu.memory_space<hbm>> -> memref<2048xf32, #tpu.memory_space<hbm>>
        tpu.wait_dma2 semaphore(%run_scoped3A : memref<!tpu.dma_semaphore, #tpu.memory_space<semaphore_mem>>) src(%arg8 : memref<2048xf32, #tpu.memory_space<vmem>>) dst(%dma_wait3A_1027 : memref<2048xf32, #tpu.memory_space<hbm>>)
        tpu.yield
      }) : () -> ()
      %while3A_1025 = arith.constant 0 : i32
      scf.yield %while3A_1025 : i32
    }
    %while3A_940 = arith.constant 0 : i32
    %while3A_941 = arith.constant 0 : i32
    %while3A_942 = arith.subi %sub3A_927, %while3A_940 : i32
    %while3A_943 = arith.addi %while3A_940, %while3A_942 : i32
    %while3A_944 = arith.constant 1 : i32
    %while3A_945 = arith.divsi %while3A_942, %while3A_944 : i32
    %while3A_946 = arith.muli %while3A_945, %while3A_944 : i32
    %while3A_947 = arith.addi %while3A_940, %while3A_946 : i32
    %while3A_948 = arith.constant 1 : i32
    %while3A_949 = scf.for %while3A_1020 = %while3A_940 to %while3A_947 step %while3A_948 iter_args(%while3A_1021 = %while3A_941) -> (i32)  : i32 {
      %mul3A_1022 = arith.constant 16 : i32
      %mul3A_1023 = arith.muli %select_n3A_924, %mul3A_1022 : i32
      %add3A_1024 = arith.addi %mul3A_1023, %while3A_1020 : i32
      %mul3A_1025 = arith.constant 128 : i32
      %mul3A_1026 = arith.muli %add3A_1024, %mul3A_1025 : i32
      %add3A_1027 = arith.addi %multiple_of3A_895, %mul3A_1026 : i32
      "tpu.region"() ({
        %run_scoped3A = tpu.sem_alloc : memref<!tpu.dma_semaphore, #tpu.memory_space<semaphore_mem>>
        %dma_start3A = arith.constant 0 : i32
        %dma_start3A_1029 = tpu.memref_slice %arg8[%dma_start3A] : memref<2048xf32, #tpu.memory_space<vmem>> -> memref<128xf32, #tpu.memory_space<vmem>>
        %dma_start3A_1030 = tpu.memref_slice %arg2[%add3A_1027] : memref<33554432xf32, #tpu.memory_space<hbm>> -> memref<128xf32, #tpu.memory_space<hbm>>
        %dma_start3A_1031 = tpu.memref_slice %arg2[%add3A_1027] : memref<33554432xf32, #tpu.memory_space<hbm>> -> memref<128xf32, #tpu.memory_space<hbm>>
        %dma_start3A_1032 = arith.constant 0 : i32
        %dma_start3A_1033 = tpu.memref_slice %arg8[%dma_start3A_1032] : memref<2048xf32, #tpu.memory_space<vmem>> -> memref<128xf32, #tpu.memory_space<vmem>>
        tpu.enqueue_dma source(%dma_start3A_1033 : memref<128xf32, #tpu.memory_space<vmem>>) target(%dma_start3A_1031 : memref<128xf32, #tpu.memory_space<hbm>>) target_semaphore(%run_scoped3A : memref<!tpu.dma_semaphore, #tpu.memory_space<semaphore_mem>>)
        %dma_wait3A = arith.constant 0 : i32
        %dma_wait3A_1034 = tpu.memref_slice %arg8[%dma_wait3A] : memref<2048xf32, #tpu.memory_space<vmem>> -> memref<128xf32, #tpu.memory_space<vmem>>
        %dma_wait3A_1035 = tpu.memref_slice %arg2[%add3A_1027] : memref<33554432xf32, #tpu.memory_space<hbm>> -> memref<128xf32, #tpu.memory_space<hbm>>
        %dma_wait3A_1036 = tpu.memref_slice %arg2[%add3A_1027] : memref<33554432xf32, #tpu.memory_space<hbm>> -> memref<128xf32, #tpu.memory_space<hbm>>
        %dma_wait3A_1037 = arith.constant 0 : i32
        %dma_wait3A_1038 = tpu.memref_slice %arg8[%dma_wait3A_1037] : memref<2048xf32, #tpu.memory_space<vmem>> -> memref<128xf32, #tpu.memory_space<vmem>>
        tpu.wait_dma2 semaphore(%run_scoped3A : memref<!tpu.dma_semaphore, #tpu.memory_space<semaphore_mem>>) src(%dma_wait3A_1038 : memref<128xf32, #tpu.memory_space<vmem>>) dst(%dma_wait3A_1036 : memref<128xf32, #tpu.memory_space<hbm>>)
        tpu.yield
      }) : () -> ()
      %while3A_1028 = arith.constant 0 : i32
      scf.yield %while3A_1028 : i32
    }
    %while3A_950 = arith.constant 1 : i32
    %while3A_951 = scf.for %while3A_1020 = %while3A_947 to %while3A_943 step %while3A_950 iter_args(%while3A_1021 = %while3A_949) -> (i32)  : i32 {
      %mul3A_1022 = arith.constant 16 : i32
      %mul3A_1023 = arith.muli %select_n3A_924, %mul3A_1022 : i32
      %add3A_1024 = arith.addi %mul3A_1023, %while3A_1020 : i32
      %mul3A_1025 = arith.constant 128 : i32
      %mul3A_1026 = arith.muli %add3A_1024, %mul3A_1025 : i32
      %add3A_1027 = arith.addi %multiple_of3A_895, %mul3A_1026 : i32
      "tpu.region"() ({
        %run_scoped3A = tpu.sem_alloc : memref<!tpu.dma_semaphore, #tpu.memory_space<semaphore_mem>>
        %dma_start3A = arith.constant 0 : i32
        %dma_start3A_1029 = tpu.memref_slice %arg8[%dma_start3A] : memref<2048xf32, #tpu.memory_space<vmem>> -> memref<128xf32, #tpu.memory_space<vmem>>
        %dma_start3A_1030 = tpu.memref_slice %arg2[%add3A_1027] : memref<33554432xf32, #tpu.memory_space<hbm>> -> memref<128xf32, #tpu.memory_space<hbm>>
        %dma_start3A_1031 = tpu.memref_slice %arg2[%add3A_1027] : memref<33554432xf32, #tpu.memory_space<hbm>> -> memref<128xf32, #tpu.memory_space<hbm>>
        %dma_start3A_1032 = arith.constant 0 : i32
        %dma_start3A_1033 = tpu.memref_slice %arg8[%dma_start3A_1032] : memref<2048xf32, #tpu.memory_space<vmem>> -> memref<128xf32, #tpu.memory_space<vmem>>
        tpu.enqueue_dma source(%dma_start3A_1033 : memref<128xf32, #tpu.memory_space<vmem>>) target(%dma_start3A_1031 : memref<128xf32, #tpu.memory_space<hbm>>) target_semaphore(%run_scoped3A : memref<!tpu.dma_semaphore, #tpu.memory_space<semaphore_mem>>)
        %dma_wait3A = arith.constant 0 : i32
        %dma_wait3A_1034 = tpu.memref_slice %arg8[%dma_wait3A] : memref<2048xf32, #tpu.memory_space<vmem>> -> memref<128xf32, #tpu.memory_space<vmem>>
        %dma_wait3A_1035 = tpu.memref_slice %arg2[%add3A_1027] : memref<33554432xf32, #tpu.memory_space<hbm>> -> memref<128xf32, #tpu.memory_space<hbm>>
        %dma_wait3A_1036 = tpu.memref_slice %arg2[%add3A_1027] : memref<33554432xf32, #tpu.memory_space<hbm>> -> memref<128xf32, #tpu.memory_space<hbm>>
        %dma_wait3A_1037 = arith.constant 0 : i32
        %dma_wait3A_1038 = tpu.memref_slice %arg8[%dma_wait3A_1037] : memref<2048xf32, #tpu.memory_space<vmem>> -> memref<128xf32, #tpu.memory_space<vmem>>
        tpu.wait_dma2 semaphore(%run_scoped3A : memref<!tpu.dma_semaphore, #tpu.memory_space<semaphore_mem>>) src(%dma_wait3A_1038 : memref<128xf32, #tpu.memory_space<vmem>>) dst(%dma_wait3A_1036 : memref<128xf32, #tpu.memory_space<hbm>>)
        tpu.yield
      }) : () -> ()
      %while3A_1028 = arith.constant 0 : i32
      scf.yield %while3A_1028 : i32
    }
    %mul3A_952 = arith.constant 4 : i32
    %mul3A_953 = arith.muli %add3A, %mul3A_952 : i32
    %add3A_954 = arith.constant 3 : i32
    %add3A_955 = arith.addi %mul3A_953, %add3A_954 : i32
    %get3A_956 = arith.index_cast %add3A_955 : i32 to index
    %get3A_957 = tpu.vector_load %arg6[%get3A_956] {strides = array<i32>} : memref<144xi32, #tpu.memory_space<vmem>>, vector<16xi32>,
    %get3A_958 = vector.shape_cast %get3A_957 : vector<16xi32> to vector<16xi32>
    %slice3A_959 = vector.extract_strided_slice %get3A_958 {offsets = [0], sizes = [1], strides = [1]} : vector<16xi32> to vector<1xi32>
    %squeeze3A_960 = vector.extract %slice3A_959[0] : i32 from vector<1xi32>
    %multiple_of3A_961 = tpu.assume_multiple %squeeze3A_960, 128 : i32
    %get3A_962 = arith.index_cast %add3A_955 : i32 to index
    %get3A_963 = tpu.vector_load %arg7[%get3A_962] {strides = array<i32>} : memref<144xi32, #tpu.memory_space<vmem>>, vector<16xi32>,
    %get3A_964 = vector.shape_cast %get3A_963 : vector<16xi32> to vector<16xi32>
    %slice3A_965 = vector.extract_strided_slice %get3A_964 {offsets = [0], sizes = [1], strides = [1]} : vector<16xi32> to vector<1xi32>
    %squeeze3A_966 = vector.extract %slice3A_965[0] : i32 from vector<1xi32>
    %jit3A_967 = arith.constant 16 : i32
    %div3A_968 = arith.divsi %squeeze3A_966, %jit3A_967 : i32
    %sign3A_969 = arith.constant 0 : i32
    %sign3A_970 = arith.cmpi sgt, %squeeze3A_966, %sign3A_969 : i32
    %sign3A_971 = arith.extui %sign3A_970 : i1 to i32
    %sign3A_972 = arith.constant 0 : i32
    %sign3A_973 = arith.cmpi slt, %squeeze3A_966, %sign3A_972 : i32
    %sign3A_974 = arith.extui %sign3A_973 : i1 to i32
    %sign3A_975 = arith.subi %sign3A_971, %sign3A_974 : i32
    %sign3A_976 = arith.constant 0 : i32
    %sign3A_977 = arith.cmpi sgt, %jit3A_967, %sign3A_976 : i32
    %sign3A_978 = arith.extui %sign3A_977 : i1 to i32
    %sign3A_979 = arith.constant 0 : i32
    %sign3A_980 = arith.cmpi slt, %jit3A_967, %sign3A_979 : i32
    %sign3A_981 = arith.extui %sign3A_980 : i1 to i32
    %sign3A_982 = arith.subi %sign3A_978, %sign3A_981 : i32
    %ne3A_983 = arith.cmpi ne, %sign3A_975, %sign3A_982 : i32
    %rem3A_984 = arith.remsi %squeeze3A_966, %jit3A_967 : i32
    %ne3A_985 = arith.constant 0 : i32
    %ne3A_986 = arith.cmpi ne, %rem3A_984, %ne3A_985 : i32
    %and3A_987 = arith.andi %ne3A_983, %ne3A_986 : i1
    %sub3A_988 = arith.constant 1 : i32
    %sub3A_989 = arith.subi %div3A_968, %sub3A_988 : i32
    %select_n3A_990 = arith.select %and3A_987, %sub3A_989, %div3A_968 : i32
    %mul3A_991 = arith.constant 16 : i32
    %mul3A_992 = arith.muli %select_n3A_990, %mul3A_991 : i32
    %sub3A_993 = arith.subi %squeeze3A_966, %mul3A_992 : i32
    %while3A_994 = arith.constant 0 : i32
    %while3A_995 = arith.constant 0 : i32
    %while3A_996 = arith.subi %select_n3A_990, %while3A_994 : i32
    %while3A_997 = arith.addi %while3A_994, %while3A_996 : i32
    %while3A_998 = arith.constant 1 : i32
    %while3A_999 = arith.divsi %while3A_996, %while3A_998 : i32
    %while3A_1000 = arith.muli %while3A_999, %while3A_998 : i32
    %while3A_1001 = arith.addi %while3A_994, %while3A_1000 : i32
    %while3A_1002 = arith.constant 1 : i32
    %while3A_1003 = scf.for %while3A_1020 = %while3A_994 to %while3A_1001 step %while3A_1002 iter_args(%while3A_1021 = %while3A_995) -> (i32)  : i32 {
      %mul3A_1022 = arith.constant 2048 : i32
      %mul3A_1023 = arith.muli %while3A_1020, %mul3A_1022 : i32
      %add3A_1024 = arith.addi %multiple_of3A_961, %mul3A_1023 : i32
      "tpu.region"() ({
        %run_scoped3A = tpu.sem_alloc : memref<!tpu.dma_semaphore, #tpu.memory_space<semaphore_mem>>
        %dma_start3A = tpu.memref_slice %arg2[%add3A_1024] : memref<33554432xf32, #tpu.memory_space<hbm>> -> memref<2048xf32, #tpu.memory_space<hbm>>
        %dma_start3A_1026 = tpu.memref_slice %arg2[%add3A_1024] : memref<33554432xf32, #tpu.memory_space<hbm>> -> memref<2048xf32, #tpu.memory_space<hbm>>
        tpu.enqueue_dma source(%arg8 : memref<2048xf32, #tpu.memory_space<vmem>>) target(%dma_start3A_1026 : memref<2048xf32, #tpu.memory_space<hbm>>) target_semaphore(%run_scoped3A : memref<!tpu.dma_semaphore, #tpu.memory_space<semaphore_mem>>)
        %dma_wait3A = tpu.memref_slice %arg2[%add3A_1024] : memref<33554432xf32, #tpu.memory_space<hbm>> -> memref<2048xf32, #tpu.memory_space<hbm>>
        %dma_wait3A_1027 = tpu.memref_slice %arg2[%add3A_1024] : memref<33554432xf32, #tpu.memory_space<hbm>> -> memref<2048xf32, #tpu.memory_space<hbm>>
        tpu.wait_dma2 semaphore(%run_scoped3A : memref<!tpu.dma_semaphore, #tpu.memory_space<semaphore_mem>>) src(%arg8 : memref<2048xf32, #tpu.memory_space<vmem>>) dst(%dma_wait3A_1027 : memref<2048xf32, #tpu.memory_space<hbm>>)
        tpu.yield
      }) : () -> ()
      %while3A_1025 = arith.constant 0 : i32
      scf.yield %while3A_1025 : i32
    }
    %while3A_1004 = arith.constant 1 : i32
    %while3A_1005 = scf.for %while3A_1020 = %while3A_1001 to %while3A_997 step %while3A_1004 iter_args(%while3A_1021 = %while3A_1003) -> (i32)  : i32 {
      %mul3A_1022 = arith.constant 2048 : i32
      %mul3A_1023 = arith.muli %while3A_1020, %mul3A_1022 : i32
      %add3A_1024 = arith.addi %multiple_of3A_961, %mul3A_1023 : i32
      "tpu.region"() ({
        %run_scoped3A = tpu.sem_alloc : memref<!tpu.dma_semaphore, #tpu.memory_space<semaphore_mem>>
        %dma_start3A = tpu.memref_slice %arg2[%add3A_1024] : memref<33554432xf32, #tpu.memory_space<hbm>> -> memref<2048xf32, #tpu.memory_space<hbm>>
        %dma_start3A_1026 = tpu.memref_slice %arg2[%add3A_1024] : memref<33554432xf32, #tpu.memory_space<hbm>> -> memref<2048xf32, #tpu.memory_space<hbm>>
        tpu.enqueue_dma source(%arg8 : memref<2048xf32, #tpu.memory_space<vmem>>) target(%dma_start3A_1026 : memref<2048xf32, #tpu.memory_space<hbm>>) target_semaphore(%run_scoped3A : memref<!tpu.dma_semaphore, #tpu.memory_space<semaphore_mem>>)
        %dma_wait3A = tpu.memref_slice %arg2[%add3A_1024] : memref<33554432xf32, #tpu.memory_space<hbm>> -> memref<2048xf32, #tpu.memory_space<hbm>>
        %dma_wait3A_1027 = tpu.memref_slice %arg2[%add3A_1024] : memref<33554432xf32, #tpu.memory_space<hbm>> -> memref<2048xf32, #tpu.memory_space<hbm>>
        tpu.wait_dma2 semaphore(%run_scoped3A : memref<!tpu.dma_semaphore, #tpu.memory_space<semaphore_mem>>) src(%arg8 : memref<2048xf32, #tpu.memory_space<vmem>>) dst(%dma_wait3A_1027 : memref<2048xf32, #tpu.memory_space<hbm>>)
        tpu.yield
      }) : () -> ()
      %while3A_1025 = arith.constant 0 : i32
      scf.yield %while3A_1025 : i32
    }
    %while3A_1006 = arith.constant 0 : i32
    %while3A_1007 = arith.constant 0 : i32
    %while3A_1008 = arith.subi %sub3A_993, %while3A_1006 : i32
    %while3A_1009 = arith.addi %while3A_1006, %while3A_1008 : i32
    %while3A_1010 = arith.constant 1 : i32
    %while3A_1011 = arith.divsi %while3A_1008, %while3A_1010 : i32
    %while3A_1012 = arith.muli %while3A_1011, %while3A_1010 : i32
    %while3A_1013 = arith.addi %while3A_1006, %while3A_1012 : i32
    %while3A_1014 = arith.constant 1 : i32
    %while3A_1015 = scf.for %while3A_1020 = %while3A_1006 to %while3A_1013 step %while3A_1014 iter_args(%while3A_1021 = %while3A_1007) -> (i32)  : i32 {
      %mul3A_1022 = arith.constant 16 : i32
      %mul3A_1023 = arith.muli %select_n3A_990, %mul3A_1022 : i32
      %add3A_1024 = arith.addi %mul3A_1023, %while3A_1020 : i32
      %mul3A_1025 = arith.constant 128 : i32
      %mul3A_1026 = arith.muli %add3A_1024, %mul3A_1025 : i32
      %add3A_1027 = arith.addi %multiple_of3A_961, %mul3A_1026 : i32
      "tpu.region"() ({
        %run_scoped3A = tpu.sem_alloc : memref<!tpu.dma_semaphore, #tpu.memory_space<semaphore_mem>>
        %dma_start3A = arith.constant 0 : i32
        %dma_start3A_1029 = tpu.memref_slice %arg8[%dma_start3A] : memref<2048xf32, #tpu.memory_space<vmem>> -> memref<128xf32, #tpu.memory_space<vmem>>
        %dma_start3A_1030 = tpu.memref_slice %arg2[%add3A_1027] : memref<33554432xf32, #tpu.memory_space<hbm>> -> memref<128xf32, #tpu.memory_space<hbm>>
        %dma_start3A_1031 = tpu.memref_slice %arg2[%add3A_1027] : memref<33554432xf32, #tpu.memory_space<hbm>> -> memref<128xf32, #tpu.memory_space<hbm>>
        %dma_start3A_1032 = arith.constant 0 : i32
        %dma_start3A_1033 = tpu.memref_slice %arg8[%dma_start3A_1032] : memref<2048xf32, #tpu.memory_space<vmem>> -> memref<128xf32, #tpu.memory_space<vmem>>
        tpu.enqueue_dma source(%dma_start3A_1033 : memref<128xf32, #tpu.memory_space<vmem>>) target(%dma_start3A_1031 : memref<128xf32, #tpu.memory_space<hbm>>) target_semaphore(%run_scoped3A : memref<!tpu.dma_semaphore, #tpu.memory_space<semaphore_mem>>)
        %dma_wait3A = arith.constant 0 : i32
        %dma_wait3A_1034 = tpu.memref_slice %arg8[%dma_wait3A] : memref<2048xf32, #tpu.memory_space<vmem>> -> memref<128xf32, #tpu.memory_space<vmem>>
        %dma_wait3A_1035 = tpu.memref_slice %arg2[%add3A_1027] : memref<33554432xf32, #tpu.memory_space<hbm>> -> memref<128xf32, #tpu.memory_space<hbm>>
        %dma_wait3A_1036 = tpu.memref_slice %arg2[%add3A_1027] : memref<33554432xf32, #tpu.memory_space<hbm>> -> memref<128xf32, #tpu.memory_space<hbm>>
        %dma_wait3A_1037 = arith.constant 0 : i32
        %dma_wait3A_1038 = tpu.memref_slice %arg8[%dma_wait3A_1037] : memref<2048xf32, #tpu.memory_space<vmem>> -> memref<128xf32, #tpu.memory_space<vmem>>
        tpu.wait_dma2 semaphore(%run_scoped3A : memref<!tpu.dma_semaphore, #tpu.memory_space<semaphore_mem>>) src(%dma_wait3A_1038 : memref<128xf32, #tpu.memory_space<vmem>>) dst(%dma_wait3A_1036 : memref<128xf32, #tpu.memory_space<hbm>>)
        tpu.yield
      }) : () -> ()
      %while3A_1028 = arith.constant 0 : i32
      scf.yield %while3A_1028 : i32
    }
    %while3A_1016 = arith.constant 1 : i32
    %while3A_1017 = scf.for %while3A_1020 = %while3A_1013 to %while3A_1009 step %while3A_1016 iter_args(%while3A_1021 = %while3A_1015) -> (i32)  : i32 {
      %mul3A_1022 = arith.constant 16 : i32
      %mul3A_1023 = arith.muli %select_n3A_990, %mul3A_1022 : i32
      %add3A_1024 = arith.addi %mul3A_1023, %while3A_1020 : i32
      %mul3A_1025 = arith.constant 128 : i32
      %mul3A_1026 = arith.muli %add3A_1024, %mul3A_1025 : i32
      %add3A_1027 = arith.addi %multiple_of3A_961, %mul3A_1026 : i32
      "tpu.region"() ({
        %run_scoped3A = tpu.sem_alloc : memref<!tpu.dma_semaphore, #tpu.memory_space<semaphore_mem>>
        %dma_start3A = arith.constant 0 : i32
        %dma_start3A_1029 = tpu.memref_slice %arg8[%dma_start3A] : memref<2048xf32, #tpu.memory_space<vmem>> -> memref<128xf32, #tpu.memory_space<vmem>>
        %dma_start3A_1030 = tpu.memref_slice %arg2[%add3A_1027] : memref<33554432xf32, #tpu.memory_space<hbm>> -> memref<128xf32, #tpu.memory_space<hbm>>
        %dma_start3A_1031 = tpu.memref_slice %arg2[%add3A_1027] : memref<33554432xf32, #tpu.memory_space<hbm>> -> memref<128xf32, #tpu.memory_space<hbm>>
        %dma_start3A_1032 = arith.constant 0 : i32
        %dma_start3A_1033 = tpu.memref_slice %arg8[%dma_start3A_1032] : memref<2048xf32, #tpu.memory_space<vmem>> -> memref<128xf32, #tpu.memory_space<vmem>>
        tpu.enqueue_dma source(%dma_start3A_1033 : memref<128xf32, #tpu.memory_space<vmem>>) target(%dma_start3A_1031 : memref<128xf32, #tpu.memory_space<hbm>>) target_semaphore(%run_scoped3A : memref<!tpu.dma_semaphore, #tpu.memory_space<semaphore_mem>>)
        %dma_wait3A = arith.constant 0 : i32
        %dma_wait3A_1034 = tpu.memref_slice %arg8[%dma_wait3A] : memref<2048xf32, #tpu.memory_space<vmem>> -> memref<128xf32, #tpu.memory_space<vmem>>
        %dma_wait3A_1035 = tpu.memref_slice %arg2[%add3A_1027] : memref<33554432xf32, #tpu.memory_space<hbm>> -> memref<128xf32, #tpu.memory_space<hbm>>
        %dma_wait3A_1036 = tpu.memref_slice %arg2[%add3A_1027] : memref<33554432xf32, #tpu.memory_space<hbm>> -> memref<128xf32, #tpu.memory_space<hbm>>
        %dma_wait3A_1037 = arith.constant 0 : i32
        %dma_wait3A_1038 = tpu.memref_slice %arg8[%dma_wait3A_1037] : memref<2048xf32, #tpu.memory_space<vmem>> -> memref<128xf32, #tpu.memory_space<vmem>>
        tpu.wait_dma2 semaphore(%run_scoped3A : memref<!tpu.dma_semaphore, #tpu.memory_space<semaphore_mem>>) src(%dma_wait3A_1038 : memref<128xf32, #tpu.memory_space<vmem>>) dst(%dma_wait3A_1036 : memref<128xf32, #tpu.memory_space<hbm>>)
        tpu.yield
      }) : () -> ()
      %while3A_1028 = arith.constant 0 : i32
      scf.yield %while3A_1028 : i32
    }
    %eq3A = arith.constant 0 : i32
    %eq3A_1018 = arith.cmpi eq, %add3A, %eq3A : i32
    %convert_element_type3A = arith.extui %eq3A_1018 : i1 to i32
    %cond3A = arith.constant 0 : i32
    %cond3A_1019 = arith.cmpi ne, %convert_element_type3A, %cond3A : i32
    scf.if %cond3A_1019 {
      "tpu.region"() ({
        %run_scoped3A = tpu.sem_alloc : memref<!tpu.dma_semaphore, #tpu.memory_space<semaphore_mem>>
        %dma_start3A = arith.constant 0 : i32
        %dma_start3A_1020 = tpu.memref_slice %arg2[%dma_start3A] : memref<33554432xf32, #tpu.memory_space<hbm>> -> memref<128xf32, #tpu.memory_space<hbm>>
        tpu.enqueue_dma source(%dma_start3A_1020 : memref<128xf32, #tpu.memory_space<hbm>>) target(%arg5 : memref<128xf32, #tpu.memory_space<hbm>>) target_semaphore(%run_scoped3A : memref<!tpu.dma_semaphore, #tpu.memory_space<semaphore_mem>>)
        %dma_wait3A = arith.constant 0 : i32
        %dma_wait3A_1021 = tpu.memref_slice %arg2[%dma_wait3A] : memref<33554432xf32, #tpu.memory_space<hbm>> -> memref<128xf32, #tpu.memory_space<hbm>>
        tpu.wait_dma2 semaphore(%run_scoped3A : memref<!tpu.dma_semaphore, #tpu.memory_space<semaphore_mem>>) src(%dma_wait3A_1021 : memref<128xf32, #tpu.memory_space<hbm>>) dst(%arg5 : memref<128xf32, #tpu.memory_space<hbm>>)
        tpu.yield
      }) : () -> ()
    } else {
    }
    return
  }
}

module attributes {stable_mosaic.version = 14 : i64} {
  func.func @_tc_body(%arg0: i32, %arg1: memref<2x2xf32, #tpu.memory_space<smem>>, %arg2: memref<4x4096x128xf32, #tpu.memory_space<vmem>>, %arg3: memref<4x4096x128xf32, #tpu.memory_space<vmem>>) attributes {dimension_semantics = [#tpu.dimension_semantics<parallel>], iteration_bounds = array<i64: 16>, scalar_prefetch = 0 : i64, scratch_operands = 0 : i64, tpu.core_type = #tpu.core_type<tc>, window_params = [{transform_indices = @transform_0, window_bounds = array<i64: 2, 2>}, {transform_indices = @transform_1, window_bounds = array<i64: 4, 4096, 128>}, {transform_indices = @transform_2, window_bounds = array<i64: 4, 4096, 128>}]} {
    %iota3A = tpu.iota {dimensions = array<i32: 1>} : vector<1x128xi32>
    %broadcast_in_dim3A = arith.constant 1.000000e+00 : f32
    %broadcast_in_dim3A_0 = vector.broadcast %broadcast_in_dim3A : f32 to vector<1x128xf32>
    %get3A = arith.constant 0 : index
    %get3A_1 = arith.constant 0 : index
    %get3A_2 = memref.load %arg1[%get3A, %get3A_1] : memref<2x2xf32, #tpu.memory_space<smem>>
    %mul3A = arith.constant 2.700000e+01 : f32
    %mul3A_3 = arith.mulf %get3A_2, %mul3A : f32
    %get3A_4 = arith.constant 0 : index
    %get3A_5 = arith.constant 1 : index
    %get3A_6 = memref.load %arg1[%get3A_4, %get3A_5] : memref<2x2xf32, #tpu.memory_space<smem>>
    %sub3A = arith.constant 1.280000e+02 : f32
    %sub3A_7 = arith.subf %sub3A, %mul3A_3 : f32
    %mul3A_8 = arith.mulf %get3A_6, %sub3A_7 : f32
    %floor3A = math.floor %mul3A_8 : f32
    %floor3A_9 = math.floor %mul3A_3 : f32
    %add3A = arith.addf %floor3A, %floor3A_9 : f32
    %convert_element_type3A = arith.fptosi %floor3A : f32 to i32
    %ge3A = vector.broadcast %convert_element_type3A : i32 to vector<1x128xi32>
    %ge3A_10 = arith.cmpi sge, %iota3A, %ge3A : vector<1x128xi32>
    %convert_element_type3A_11 = arith.fptosi %add3A : f32 to i32
    %lt3A = vector.broadcast %convert_element_type3A_11 : i32 to vector<1x128xi32>
    %lt3A_12 = arith.cmpi slt, %iota3A, %lt3A : vector<1x128xi32>
    %and3A = arith.andi %ge3A_10, %lt3A_12 : vector<1x128xi1>
    %jit3A = arith.constant 0.000000e+00 : f32
    %broadcast_in_dim3A_13 = vector.broadcast %jit3A : f32 to vector<1x128xf32>
    %select_n3A = arith.select %and3A, %broadcast_in_dim3A_13, %broadcast_in_dim3A_0 : vector<1x128xi1>, vector<1x128xf32>
    %get3A_14 = arith.constant 1 : index
    %get3A_15 = arith.constant 0 : index
    %get3A_16 = memref.load %arg1[%get3A_14, %get3A_15] : memref<2x2xf32, #tpu.memory_space<smem>>
    %mul3A_17 = arith.constant 2.700000e+01 : f32
    %mul3A_18 = arith.mulf %get3A_16, %mul3A_17 : f32
    %get3A_19 = arith.constant 1 : index
    %get3A_20 = arith.constant 1 : index
    %get3A_21 = memref.load %arg1[%get3A_19, %get3A_20] : memref<2x2xf32, #tpu.memory_space<smem>>
    %sub3A_22 = arith.constant 1.280000e+02 : f32
    %sub3A_23 = arith.subf %sub3A_22, %mul3A_18 : f32
    %mul3A_24 = arith.mulf %get3A_21, %sub3A_23 : f32
    %floor3A_25 = math.floor %mul3A_24 : f32
    %floor3A_26 = math.floor %mul3A_18 : f32
    %add3A_27 = arith.addf %floor3A_25, %floor3A_26 : f32
    %convert_element_type3A_28 = arith.fptosi %floor3A_25 : f32 to i32
    %ge3A_29 = vector.broadcast %convert_element_type3A_28 : i32 to vector<1x128xi32>
    %ge3A_30 = arith.cmpi sge, %iota3A, %ge3A_29 : vector<1x128xi32>
    %convert_element_type3A_31 = arith.fptosi %add3A_27 : f32 to i32
    %lt3A_32 = vector.broadcast %convert_element_type3A_31 : i32 to vector<1x128xi32>
    %lt3A_33 = arith.cmpi slt, %iota3A, %lt3A_32 : vector<1x128xi32>
    %and3A_34 = arith.andi %ge3A_30, %lt3A_33 : vector<1x128xi1>
    %jit3A_35 = arith.constant 0.000000e+00 : f32
    %broadcast_in_dim3A_36 = vector.broadcast %jit3A_35 : f32 to vector<1x128xf32>
    %select_n3A_37 = arith.select %and3A_34, %broadcast_in_dim3A_36, %select_n3A : vector<1x128xi1>, vector<1x128xf32>
    %get3A_38 = arith.constant 0 : index
    %get3A_39 = arith.constant 0 : index
    %get3A_40 = arith.constant 0 : index
    %get3A_41 = vector.load %arg2[%get3A_38, %get3A_39, %get3A_40] : memref<4x4096x128xf32, #tpu.memory_space<vmem>>, vector<1x4096x128xf32>
    %get3A_42 = vector.shape_cast %get3A_41 : vector<1x4096x128xf32> to vector<4096x128xf32>
    %mul3A_43 = vector.broadcast %select_n3A_37 : vector<1x128xf32> to vector<4096x128xf32>
    %mul3A_44 = arith.mulf %get3A_42, %mul3A_43 : vector<4096x128xf32>
    %swap3A = arith.constant 0 : index
    %swap3A_45 = arith.constant 0 : index
    %swap3A_46 = arith.constant 0 : index
    %swap3A_47 = vector.load %arg3[%swap3A, %swap3A_45, %swap3A_46] : memref<4x4096x128xf32, #tpu.memory_space<vmem>>, vector<1x4096x128xf32>
    %swap3A_48 = vector.shape_cast %swap3A_47 : vector<1x4096x128xf32> to vector<4096x128xf32>
    %swap3A_49 = vector.shape_cast %mul3A_44 : vector<4096x128xf32> to vector<1x4096x128xf32>
    tpu.vector_store %arg3[%swap3A, %swap3A_45, %swap3A_46], %swap3A_49 {strides = array<i32>} : memref<4x4096x128xf32, #tpu.memory_space<vmem>>, vector<1x4096x128xf32>,
    %get3A_50 = arith.constant 1 : index
    %get3A_51 = arith.constant 0 : index
    %get3A_52 = arith.constant 0 : index
    %get3A_53 = vector.load %arg2[%get3A_50, %get3A_51, %get3A_52] : memref<4x4096x128xf32, #tpu.memory_space<vmem>>, vector<1x4096x128xf32>
    %get3A_54 = vector.shape_cast %get3A_53 : vector<1x4096x128xf32> to vector<4096x128xf32>
    %mul3A_55 = vector.broadcast %select_n3A_37 : vector<1x128xf32> to vector<4096x128xf32>
    %mul3A_56 = arith.mulf %get3A_54, %mul3A_55 : vector<4096x128xf32>
    %swap3A_57 = arith.constant 1 : index
    %swap3A_58 = arith.constant 0 : index
    %swap3A_59 = arith.constant 0 : index
    %swap3A_60 = vector.load %arg3[%swap3A_57, %swap3A_58, %swap3A_59] : memref<4x4096x128xf32, #tpu.memory_space<vmem>>, vector<1x4096x128xf32>
    %swap3A_61 = vector.shape_cast %swap3A_60 : vector<1x4096x128xf32> to vector<4096x128xf32>
    %swap3A_62 = vector.shape_cast %mul3A_56 : vector<4096x128xf32> to vector<1x4096x128xf32>
    tpu.vector_store %arg3[%swap3A_57, %swap3A_58, %swap3A_59], %swap3A_62 {strides = array<i32>} : memref<4x4096x128xf32, #tpu.memory_space<vmem>>, vector<1x4096x128xf32>,
    %get3A_63 = arith.constant 2 : index
    %get3A_64 = arith.constant 0 : index
    %get3A_65 = arith.constant 0 : index
    %get3A_66 = vector.load %arg2[%get3A_63, %get3A_64, %get3A_65] : memref<4x4096x128xf32, #tpu.memory_space<vmem>>, vector<1x4096x128xf32>
    %get3A_67 = vector.shape_cast %get3A_66 : vector<1x4096x128xf32> to vector<4096x128xf32>
    %mul3A_68 = vector.broadcast %select_n3A_37 : vector<1x128xf32> to vector<4096x128xf32>
    %mul3A_69 = arith.mulf %get3A_67, %mul3A_68 : vector<4096x128xf32>
    %swap3A_70 = arith.constant 2 : index
    %swap3A_71 = arith.constant 0 : index
    %swap3A_72 = arith.constant 0 : index
    %swap3A_73 = vector.load %arg3[%swap3A_70, %swap3A_71, %swap3A_72] : memref<4x4096x128xf32, #tpu.memory_space<vmem>>, vector<1x4096x128xf32>
    %swap3A_74 = vector.shape_cast %swap3A_73 : vector<1x4096x128xf32> to vector<4096x128xf32>
    %swap3A_75 = vector.shape_cast %mul3A_69 : vector<4096x128xf32> to vector<1x4096x128xf32>
    tpu.vector_store %arg3[%swap3A_70, %swap3A_71, %swap3A_72], %swap3A_75 {strides = array<i32>} : memref<4x4096x128xf32, #tpu.memory_space<vmem>>, vector<1x4096x128xf32>,
    %get3A_76 = arith.constant 3 : index
    %get3A_77 = arith.constant 0 : index
    %get3A_78 = arith.constant 0 : index
    %get3A_79 = vector.load %arg2[%get3A_76, %get3A_77, %get3A_78] : memref<4x4096x128xf32, #tpu.memory_space<vmem>>, vector<1x4096x128xf32>
    %get3A_80 = vector.shape_cast %get3A_79 : vector<1x4096x128xf32> to vector<4096x128xf32>
    %mul3A_81 = vector.broadcast %select_n3A_37 : vector<1x128xf32> to vector<4096x128xf32>
    %mul3A_82 = arith.mulf %get3A_80, %mul3A_81 : vector<4096x128xf32>
    %swap3A_83 = arith.constant 3 : index
    %swap3A_84 = arith.constant 0 : index
    %swap3A_85 = arith.constant 0 : index
    %swap3A_86 = vector.load %arg3[%swap3A_83, %swap3A_84, %swap3A_85] : memref<4x4096x128xf32, #tpu.memory_space<vmem>>, vector<1x4096x128xf32>
    %swap3A_87 = vector.shape_cast %swap3A_86 : vector<1x4096x128xf32> to vector<4096x128xf32>
    %swap3A_88 = vector.shape_cast %mul3A_82 : vector<4096x128xf32> to vector<1x4096x128xf32>
    tpu.vector_store %arg3[%swap3A_83, %swap3A_84, %swap3A_85], %swap3A_88 {strides = array<i32>} : memref<4x4096x128xf32, #tpu.memory_space<vmem>>, vector<1x4096x128xf32>,
    return
  }
  func.func @transform_0(%arg0: i32) -> (i32, i32) {
    %c0_i32 = arith.constant 0 : i32
    %c0_i32_0 = arith.constant 0 : i32
    %c0_i32_1 = arith.constant 0 : i32
    return %c0_i32, %c0_i32_0 : i32, i32
  }
  func.func @transform_1(%arg0: i32) -> (i32, i32, i32) {
    %c0_i32 = arith.constant 0 : i32
    %c0_i32_0 = arith.constant 0 : i32
    %c0_i32_1 = arith.constant 0 : i32
    return %arg0, %c0_i32, %c0_i32_0 : i32, i32, i32
  }
  func.func @transform_2(%arg0: i32) -> (i32, i32, i32) {
    %c0_i32 = arith.constant 0 : i32
    %c0_i32_0 = arith.constant 0 : i32
    %c0_i32_1 = arith.constant 0 : i32
    return %arg0, %c0_i32, %c0_i32_0 : i32, i32, i32
  }
}

</mosaic_0001>

<sc_bundles>
// kernel: kernel.4.cloned.1.call-start
scs
__scs_entry_jumppad:
0x0: {  	(pc) =	sbr.rel $0x88, $3  }
0x1: {  	(tag) =	ssettag $0x0;
	lr =	simm.s32 $0x1  }
0x2: {  	[smem:$0x3F9D] =	sst lr;
	_ =	strace $0xD0000000  }
0x3: {  	_ = 	snop  }
0x4: {  	_ = 	snop  }
0x5: {  	_ = 	snop  }
0x6: {  	_ = 	snop  }
0x7: {  	_ = 	snop  }
__scs_overlays_trampoline_lowered:
0x8: {  	[smem:$0x3FAC] =	sst s0  }
0x9: {  	[smem:$0x3FAD] =	sst s1  }
0xa: {  	[smem:$0x3FAE] =	sst s2  }
0xb: {  	[smem:$0x3FAF] =	sst s3  }
0xc: {  	[smem:$0x3FB0] =	sst s4  }
0xd: {  	[smem:$0x3FB1] =	sst s5  }
0xe: {  	[smem:$0x3FB2] =	sst s6  }
0xf: {  	[smem:$0x3FB3] =	sst s7  }
0x10: {  	[smem:$0x3FB4] =	sst s8  }
0x11: {  	[smem:$0x3FB5] =	sst s9;
	s0 =	simm.s32 @!p0 $0x0  }
0x12: {  	s1 =	sld [smem:$0x3F9B];
	s0 =	simm.s32 @p0 $0x1  }
0x13: {  	[smem:$0x3FB6] =	sst s0;
	s0 =	simm.s32 @!p1 $0x0  }
0x14: {  	s2 =	sld [smem:$0x3F9A];
	s0 =	simm.s32 @p1 $0x1  }
0x15: {  	[smem:$0x3FB7] =	sst s0;
	s0 =	simm.s32 @!p2 $0x0  }
0x16: {  	s3 =	sld [smem:$0x3FDB];
	s0 =	simm.s32 @p2 $0x1  }
0x17: {  	s4 =	simm.s32 $0x1BF5;
	[smem:$0x3FB9] =	sst s0  }
0x18: {  	s0 =	sld [smem:$0x3F9C];
	_ =	swait.ge [sflag:s4], $0x0  }
0x19: {  	s7 =	sld [smem:$0x3F9D]  }
0x1a: {  	s8 =	sadd.s32 $0xFFFFE003, lr  }
0x1b: {  	s9 =	sadd.s32 $0xFFFFFEF7, lr;
	s5 =	simm.s32 $0xFFFFFFFF;
	p2 =	slt.u32 s8, $0xFFFFF086  }
0x1c: {  	p1 =	slt.u32 s9, $0xF7A;
	s5 =	simm.s32 @!p2 $0x0  }
0x1d: {  	s5 =	simm.s32 @p1 $0x1;
	p0 =	seq.s32 s7, s2  }
0x1e: {  	s7 =	smul.u32 @!p0 $0xF7A, s2;
	p2 =	seq.s32 @!p0 s5, $0x0  }
0x1f: {  	s9 =	smul.u32 $0xF7A, s1;
	s8 =	simm.s32 @!p0 $0x1BF5;
	p2 =	por !p2, p0  }
0x20: {  	[sflag:s8] =	ssyncset.s32 @!p0 $0xFFFFF086;
	s6 =	sadd.s32 @!p0 s3, s7;
	s7 =	simm.s32 @!p0 $0x108  }
0x21: {  	s3 =	sadd.s32 s3, s9;
	s6 =	sadd.s32 @!p0 $0x88, s6;
	s7 =	simm.s32 @p2 $0x1082  }
0x22: {  	[simem:s7], [sflag:s8] =	dma.local @!p0 [hbm:s6], $0xF7A  }
0x23: {  	s9 =	sor.u32 $0xD0000000, s2;
	s6 =	simm.s32 $0x108;
	_ =	swait.ge @!p0 [sflag:s8], $0x0  }
0x24: {  	s3 =	sadd.s32 $0x88, s3;
	s6 =	simm.s32 @!p1 $0x1082;
	[sflag:s4] =	ssyncset.s32 $0xFFFFF086  }
0x25: {  	[simem:s6], [sflag:s4] =	dma.local [hbm:s3], $0xF7A  }
0x26: {  	[smem:$0x3F9D] =	sst s1;
	(tag) =	ssettag s2;
	_ =	strace s9  }
0x27: {  	s1 =	sld [smem:$0x3FAD]  }
0x28: {  	s2 =	sld [smem:$0x3FAE]  }
0x29: {  	s4 =	sld [smem:$0x3FB0]  }
0x2a: {  	p0 =	seq.s32 s5, $0x0;
	s5 =	sld [smem:$0x3FB1]  }
0x2b: {  	s6 =	sld [smem:$0x3FB2]  }
0x2c: {  	s7 =	sld [smem:$0x3FB3]  }
0x2d: {  	s3 =	simm.s32 $0x108;
	s8 =	sld [smem:$0x3FB4]  }
0x2e: {  	s3 =	simm.s32 @!p0 $0x1082;
	s9 =	sld [smem:$0x3FB5]  }
0x2f: {  	lr =	sadd.s32 s0, s3;
	s0 =	sld [smem:$0x3FAC]  }
0x30: {  	s3 =	sld [smem:$0x3FAF]  }
0x31: {  	[smem:$0x3FB8] =	sst s10  }
0x32: {  	s10 =	sld [smem:$0x3FB6];
	_ =	sdelay $0x3  }
0x33: {  	p0 =	seq.s32 s10, $0x1;
	s10 =	sld [smem:$0x3FB8];
	_ =	sdelay $0x3  }
0x34: {  	[smem:$0x3FB8] =	sst s10  }
0x35: {  	s10 =	sld [smem:$0x3FB7];
	_ =	sdelay $0x3  }
0x36: {  	p1 =	seq.s32 s10, $0x1;
	s10 =	sld [smem:$0x3FB8];
	_ =	sdelay $0x3  }
0x37: {  	[smem:$0x3FB8] =	sst s10  }
0x38: {  	s10 =	sld [smem:$0x3FB9]  }
0x39: {  	_ = 	snop;
	(pc) =	sbr.ind lr, $3  }
0x3a: {  	_ = 	snop  }
0x3b: {  	_ = 	snop  }
0x3c: {  	p2 =	seq.s32 s10, $0x1;
	s10 =	sld [smem:$0x3FB8]  }
0x3d: {  	_ =	shalt  }
0x3e: {  	_ =	shalt  }
0x3f: {  	_ =	shalt  }
0x40: {  	_ =	shalt  }
0x41: {  	_ =	shalt  }
0x42: {  	_ =	shalt  }
0x43: {  	_ =	shalt  }
0x44: {  	_ =	shalt  }
0x45: {  	_ =	shalt  }
0x46: {  	_ =	shalt  }
0x47: {  	_ =	shalt  }
0x48: {  	_ =	shalt  }
0x49: {  	_ =	shalt  }
0x4a: {  	_ =	shalt  }
0x4b: {  	_ =	shalt  }
0x4c: {  	_ =	shalt  }
0x4d: {  	_ =	shalt  }
0x4e: {  	_ =	shalt  }
0x4f: {  	_ =	shalt  }
0x50: {  	_ =	shalt  }
0x51: {  	_ =	shalt  }
0x52: {  	_ =	shalt  }
0x53: {  	_ =	shalt  }
0x54: {  	_ =	shalt  }
0x55: {  	_ =	shalt  }
0x56: {  	_ =	shalt  }
0x57: {  	_ =	shalt  }
0x58: {  	_ =	shalt  }
0x59: {  	_ =	shalt  }
0x5a: {  	_ =	shalt  }
0x5b: {  	_ =	shalt  }
0x5c: {  	_ =	shalt  }
0x5d: {  	_ =	shalt  }
0x5e: {  	_ =	shalt  }
0x5f: {  	_ =	shalt  }
0x60: {  	_ =	shalt  }
0x61: {  	_ =	shalt  }
0x62: {  	_ =	shalt  }
0x63: {  	_ =	shalt  }
0x64: {  	_ =	shalt  }
0x65: {  	_ =	shalt  }
0x66: {  	_ =	shalt  }
0x67: {  	_ =	shalt  }
0x68: {  	_ =	shalt  }
0x69: {  	_ =	shalt  }
0x6a: {  	_ =	shalt  }
0x6b: {  	_ =	shalt  }
0x6c: {  	_ =	shalt  }
0x6d: {  	_ =	shalt  }
0x6e: {  	_ =	shalt  }
0x6f: {  	_ =	shalt  }
0x70: {  	_ =	shalt  }
0x71: {  	_ =	shalt  }
0x72: {  	_ =	shalt  }
0x73: {  	_ =	shalt  }
0x74: {  	_ =	shalt  }
0x75: {  	_ =	shalt  }
0x76: {  	_ =	shalt  }
0x77: {  	_ =	shalt  }
0x78: {  	_ =	shalt  }
0x79: {  	_ =	shalt  }
0x7a: {  	_ =	shalt  }
0x7b: {  	_ =	shalt  }
0x7c: {  	_ =	shalt  }
0x7d: {  	_ =	shalt  }
0x7e: {  	_ =	shalt  }
0x7f: {  	_ =	shalt  }
0x80: {  	_ =	shalt  }
0x81: {  	_ =	shalt  }
0x82: {  	_ =	shalt  }
0x83: {  	_ =	shalt  }
0x84: {  	_ =	shalt  }
0x85: {  	_ =	shalt  }
0x86: {  	_ =	shalt  }
0x87: {  	_ =	shalt  }
.Lfunc_end0:
.L_simem_size_0:
called_computation_lowered:
.L_overlay_start_0:
0x88: {  	s2 =	sld [smem:$0x3FD9]  }
0x89: {  	s3 =	sld [smem:$0x3FFE];
	_ =	sdelay $0x1  }
0x8a: {  	s1 =	srdreg.scid  }
0x8b: {  	s0 =	sand.u32 $0x1, s1  }
0x8c: {  	s17 =	sshll.u32 s0, $0xA;
	s2 =	sadd.s32 s3, s2  }
0x8d: {  	s2 =	sadd.s32 s2, s17  }
0x8e: {  	[smem:$0x3FC4] =	sst s2  }
0x8f: {  	_ = 	snop  }
0x90: {  	s2 =	sld [smem:$0x3FD0];
	(tm) =	ssettm $0x1  }
0x91: {  	s18 =	sld [smem:$0x3FFB];
	_ =	sdelay $0x3  }
0x92: {  	_ =	strace s18  }
0x93: {  	s3 =	sld [smem:$0x3FFC];
	_ =	sdelay $0x3  }
0x94: {  	_ =	strace s3  }
0x95: {  	s3 =	sld [smem:$0x3FFD];
	_ =	sdelay $0x3  }
0x96: {  	_ =	strace s3  }
0x97: {  	_ =	strace $0x8FFFFFFF  }
0x98: {  	s19 =	sld [smem:$0x3FDB];
	_ =	sdelay $0x1  }
0x99: {  	s4 =	simm.s32 $_scs_section_size  }
0x9a: {  	s5 =	simm.s32 $_size__tile_overlayer_lowered;
	s6 =	simm.s32 $_tile_overlayer_lowered  }
0x9b: {  	s22 =	simm.s32 $0x1BFF;
	s21 =	sshll.u32 s6, $0x1;
	s3 =	sadd.s32 s4, s19  }
0x9c: {  	s7 =	simm.s32 $0x0;
	s20 =	sshll.u32 s5, $0x1;
	s5 =	sadd.s32 s21, s3  }
0x9d: {  	[timem:s7], [sflag:s22] =	dma.local [hbm:s5], s20  }
0x9e: {  	_ =	swait.ge [sflag:s22], s20  }
0x9f: {  	s4 =	ssub.s32 $0x0, s20;
	[sflag:s22] =	ssyncset.done $0x0  }
0xa0: {  	[sflag:s22] =	ssyncadd.s32 s4;
	_ =	sdelay $0x1  }
0xa1: {  	s23 =	simm.s32 $0x1B8B  }
0xa2: {  	_ =	swait.ge [sflag:s23], $0x1  }
0xa3: {  	[sflag:s23] =	ssyncset.done $0x0  }
0xa4: {  	s25 =	simm.s32 $0x1B8E;
	s24 =	sld [smem:$0x3FFE];
	[sflag:s23] =	ssyncadd.s32 $0xFFFFFFFF  }
0xa5: {  	s26 =	simm.s32 $execute0_lowered;
	[smem:$0x3FD2] =	sst s25  }
0xa6: {  	s5 =	sshll.u32 s26, $0x1;
	_ =	strace $0x80000046;
	[dreg:$0x1] =	wrdreg $0xFFFFFFFF  }
0xa7: {  	s28 =	simm.s32 $_size_execute0_lowered;
	s3 =	sadd.s32 s3, s5;
	[dreg:$0x0] =	wrdreg $0x0  }
0xa8: {  	s5 =	sshll.u32 s28, $0x1;
	[dreg:$0x2] =	wrdreg s3  }
0xa9: {  	[dreg:$0x3] =	wrdreg s5  }
0xaa: {  	[dreg:$0x4] =	wrdreg $0xC0  }
0xab: {  	_ =	task [dreg:s7], $0x5FFFF  }
0xac: {  	[dreg:$0x1] =	wrdreg $0xFFFFFFFF  }
0xad: {  	[dreg:$0x0] =	wrdreg $0x60  }
0xae: {  	[dreg:$0x2] =	wrdreg s2  }
0xaf: {  	[dreg:$0x3] =	wrdreg s24  }
0xb0: {  	[dreg:$0x4] =	wrdreg $0x9  }
0xb1: {  	_ =	task.clear_ibuf [dreg:s7], $0x5FFFF;
	_ =	strace $0x90000046  }
0xb2: {  	s29 =	simm.s32 $0x9;
	_ =	strace $0x80000048  }
0xb3: {  	_ =	swait.ge [sflag:s29], $0x1  }
0xb4: {  	[sflag:s29] =	ssyncadd.s32 $0xFFFFFFFF  }
0xb5: {  	_ =	strace $0x90000048  }
0xb6: {  	_ =	sfence  }
0xb7: {  	s30 =	sld [smem:$0x0];
	_ =	sdelay $0x2  }
0xb8: {  	s31 =	sshll.u32 s1, $0xD;
	s1 =	sshrl.u32 s1, $0x2  }
0xb9: {  	s3 =	sand.u32 $0x4000, s31;
	s1 =	sadd.s32 s1, s30  }
0xba: {  	s0 =	sor.u32 s3, s0;
	s1 =	sshll.u32 s1, $0x11  }
0xbb: {  	s0 =	sor.u32 s1, s0  }
0xbc: {  	s0 =	sadd.s32 $0x8F2B, s0  }
0xbd: {  	[sflag:s0] =	ssyncadd.remote.s32 $0x1  }
0xbe: {  	_ =	sfence.sel $0xFFFF  }
0xbf: {  	[dreg:$0x0] =	wrdreg $0xFFFFFFFF;
	(pc) =	sbr.abs _section_cstart, $3  }
0xc0: {  	[dreg:$0x1] =	wrdreg $0xFFFFFFFF  }
0xc1: {  	_ =	task.clear_ibuf [dreg:s7], $0x2FFFF;
	_ =	strace $0x9FFFFFFF  }
0xc2: {  	(tm) =	ssettm $0x7FFFFFFF  }
0xc3: {  	_ =	shalt  }
tec
execute0_lowered:
.L_overlay_start_1:
0x0: {  	(tag) =	ssettag $0x1  }
0x1: {  	s1 =	rddreg [dreg:$0x0]  }
0x2: {  	s6 =	rddreg [dreg:$0x1]  }
0x3: {  	s0 =	rddreg [dreg:$0x2];
	s3 =	simm.s32 $0x0  }
0x4: {  	s4 =	srdreg.scid;
	s2 =	stileid.u32;
	s12 =	simm.s32 $0x1  }
0x5: {  	s13 =	simm.s32 $0x100;
	s14 =	simm.s32 $0x200;
	[smem:$0x7FF] =	sst s3  }
0x6: {  	s7 =	sand.u32 $0x1, s4;
	s4 =	sadd.s32 $0xA00, s6;
	s9 =	sshll.u32 s2, $0x1  }
.Ltmp0:
0x7: {  	s5 =	sadd.s32 $0x800, s6;
	s6 =	sadd.s32 $0xC00, s6;
	(pc) =	sbr.rel .LBB2_1-.Ltmp0, $4  }
0x8: {  	_ =	strace $0x80000047;
	s8 =	ssub.s32 $0x2, s7;
	s15 =	sor.u32 s7, s9  }
0x9: {  	s10 =	sshrl.u32 s8, $0x1;
	s7 =	sshll.u32 s15, $0x2;
	p0 =	sne.s32 s15, $0x0  }
0xa: {  	s11 =	ssub.s32 s8, s10;
	s8 =	sor.u32 $0x1, s7;
	s9 =	sor.u32 $0x2, s7  }
0xb: {  	v0 =	vimm.f32 $0.0e+00;
	s10 =	sshllo.u32 s15, $0x2;
	s15 =	simm.s32 $0x0;
	s11 =	smax.u32 s11, $0x1  }
.LBB2_20:
0xc: {  	[sflag:s12] =	ssyncset.done $0x0  }
0xd: {  	[sflag:s12] =	ssyncadd.s32 $0xFFFFFF80  }
.LBB2_21:
0xe: {  	s16 =	sshll.u32 @!p0 s2, $0x6;
	s15 =	sadd.s32 $0x1, s15  }
0xf: {  	s16 =	sor.u32 @!p0 $0x1C01, s16;
	p1 =	sne.s32 s15, s11  }
0x10: {  	[hbm:s6], [sflag:s16] =	dma.local @!p0 [hbm:s1], $0x10  }
.Ltmp1:
0x11: {  	_ = 	snop;
	(pc) =	sbr.rel @!p1 .LBB2_22-.Ltmp1, $4  }
0x12: {  	s16 =	simm.s32 @!p0 $0x1  }
0x13: {  	_ =	swait.ge @!p0 [sflag:s16], $0x10  }
0x14: {  	[sflag:s16] =	ssyncset.done @!p0 $0x0  }
0x15: {  	[sflag:s16] =	ssyncadd.s32 @!p0 $0xFFFFFFF0  }
.LBB2_1:
0x16: {  	[tilespmem:s3], [sflag:$0x1] =	stream.linear.gather [hbm4b:s4+s3], $0x80, $0x38;
	[tilespmem:$0xA00] =	vst v63  }
0x17: {  	_ =	swait.ge [sflag:s12], $0x80  }
0x18: {  	[sflag:s12] =	ssyncset.done $0x0  }
0x19: {  	[sflag:s12] =	ssyncadd.s32 $0xFFFFFF80  }
0x1a: {  	[tilespmem:s13], [sflag:$0x1] =	stream.linear.gather [hbm4b:s5+s3], $0x80, $0x38;
	[tilespmem:$0xA00] =	vst v63  }
0x1b: {  	_ =	swait.ge [sflag:s12], $0x80  }
0x1c: {  	[sflag:s12] =	ssyncset.done $0x0  }
0x1d: {  	[sflag:s12] =	ssyncadd.s32 $0xFFFFFF80  }
0x1e: {  	[tilespmem:$0x200] =	vst v0  }
0x1f: {  	[tilespmem:$0x210] =	vst v0  }
0x20: {  	[tilespmem:$0x220] =	vst v0  }
0x21: {  	[tilespmem:$0x230] =	vst v0  }
0x22: {  	[tilespmem:$0x240] =	vst v0  }
0x23: {  	[tilespmem:$0x250] =	vst v0  }
0x24: {  	[tilespmem:$0x260] =	vst v0  }
0x25: {  	[tilespmem:$0x270] =	vst v0  }
0x26: {  	[tilespmem:$0x280] =	vst v0  }
0x27: {  	[tilespmem:$0x290] =	vst v0  }
0x28: {  	[tilespmem:$0x2A0] =	vst v0  }
0x29: {  	[tilespmem:$0x2B0] =	vst v0  }
0x2a: {  	[tilespmem:$0x2C0] =	vst v0  }
0x2b: {  	[tilespmem:$0x2D0] =	vst v0  }
0x2c: {  	[tilespmem:$0x2E0] =	vst v0  }
0x2d: {  	[tilespmem:$0x2F0] =	vst v0  }
0x2e: {  	[tilespmem:$0x300] =	vst v0  }
0x2f: {  	[tilespmem:$0x310] =	vst v0  }
0x30: {  	[tilespmem:$0x320] =	vst v0  }
0x31: {  	[tilespmem:$0x330] =	vst v0  }
0x32: {  	[tilespmem:$0x340] =	vst v0  }
0x33: {  	[tilespmem:$0x350] =	vst v0  }
0x34: {  	[tilespmem:$0x360] =	vst v0  }
0x35: {  	[tilespmem:$0x370] =	vst v0  }
0x36: {  	[tilespmem:$0x380] =	vst v0  }
0x37: {  	[tilespmem:$0x390] =	vst v0  }
0x38: {  	[tilespmem:$0x3A0] =	vst v0  }
0x39: {  	[tilespmem:$0x3B0] =	vst v0  }
0x3a: {  	[tilespmem:$0x3C0] =	vst v0  }
0x3b: {  	[tilespmem:$0x3D0] =	vst v0  }
0x3c: {  	[tilespmem:$0x3E0] =	vst v0  }
0x3d: {  	[tilespmem:$0x3F0] =	vst v0  }
0x3e: {  	[tilespmem:$0x400] =	vst v0  }
0x3f: {  	[tilespmem:$0x410] =	vst v0  }
0x40: {  	[tilespmem:$0x420] =	vst v0  }
0x41: {  	[tilespmem:$0x430] =	vst v0  }
0x42: {  	[tilespmem:$0x440] =	vst v0  }
0x43: {  	[tilespmem:$0x450] =	vst v0  }
0x44: {  	[tilespmem:$0x460] =	vst v0  }
0x45: {  	[tilespmem:$0x470] =	vst v0  }
0x46: {  	[tilespmem:$0x480] =	vst v0  }
0x47: {  	[tilespmem:$0x490] =	vst v0  }
0x48: {  	[tilespmem:$0x4A0] =	vst v0  }
0x49: {  	[tilespmem:$0x4B0] =	vst v0  }
0x4a: {  	[tilespmem:$0x4C0] =	vst v0  }
0x4b: {  	[tilespmem:$0x4D0] =	vst v0  }
0x4c: {  	[tilespmem:$0x4E0] =	vst v0  }
0x4d: {  	[tilespmem:$0x4F0] =	vst v0  }
0x4e: {  	[tilespmem:$0x500] =	vst v0  }
0x4f: {  	[tilespmem:$0x510] =	vst v0  }
0x50: {  	[tilespmem:$0x520] =	vst v0  }
0x51: {  	[tilespmem:$0x530] =	vst v0  }
0x52: {  	[tilespmem:$0x540] =	vst v0  }
0x53: {  	[tilespmem:$0x550] =	vst v0  }
0x54: {  	[tilespmem:$0x560] =	vst v0  }
0x55: {  	[tilespmem:$0x570] =	vst v0  }
0x56: {  	[tilespmem:$0x580] =	vst v0  }
0x57: {  	[tilespmem:$0x590] =	vst v0  }
0x58: {  	[tilespmem:$0x5A0] =	vst v0  }
0x59: {  	[tilespmem:$0x5B0] =	vst v0  }
0x5a: {  	[tilespmem:$0x5C0] =	vst v0  }
0x5b: {  	[tilespmem:$0x5D0] =	vst v0  }
0x5c: {  	[tilespmem:$0x5E0] =	vst v0  }
0x5d: {  	[tilespmem:$0x5F0] =	vst v0  }
0x5e: {  	[tilespmem:$0x600] =	vst v0  }
0x5f: {  	[tilespmem:$0x610] =	vst v0  }
0x60: {  	[tilespmem:$0x620] =	vst v0  }
0x61: {  	[tilespmem:$0x630] =	vst v0  }
0x62: {  	[tilespmem:$0x640] =	vst v0  }
0x63: {  	[tilespmem:$0x650] =	vst v0  }
0x64: {  	[tilespmem:$0x660] =	vst v0  }
0x65: {  	[tilespmem:$0x670] =	vst v0  }
0x66: {  	[tilespmem:$0x680] =	vst v0  }
0x67: {  	[tilespmem:$0x690] =	vst v0  }
0x68: {  	[tilespmem:$0x6A0] =	vst v0  }
0x69: {  	[tilespmem:$0x6B0] =	vst v0  }
0x6a: {  	[tilespmem:$0x6C0] =	vst v0  }
0x6b: {  	[tilespmem:$0x6D0] =	vst v0  }
0x6c: {  	[tilespmem:$0x6E0] =	vst v0  }
0x6d: {  	[tilespmem:$0x6F0] =	vst v0  }
0x6e: {  	[tilespmem:$0x700] =	vst v0  }
0x6f: {  	[tilespmem:$0x710] =	vst v0  }
0x70: {  	[tilespmem:$0x720] =	vst v0  }
0x71: {  	[tilespmem:$0x730] =	vst v0  }
0x72: {  	[tilespmem:$0x740] =	vst v0  }
0x73: {  	[tilespmem:$0x750] =	vst v0  }
0x74: {  	[tilespmem:$0x760] =	vst v0  }
0x75: {  	[tilespmem:$0x770] =	vst v0  }
0x76: {  	[tilespmem:$0x780] =	vst v0  }
0x77: {  	[tilespmem:$0x790] =	vst v0  }
0x78: {  	[tilespmem:$0x7A0] =	vst v0  }
0x79: {  	[tilespmem:$0x7B0] =	vst v0  }
0x7a: {  	[tilespmem:$0x7C0] =	vst v0  }
0x7b: {  	[tilespmem:$0x7D0] =	vst v0  }
0x7c: {  	[tilespmem:$0x7E0] =	vst v0  }
0x7d: {  	[tilespmem:$0x7F0] =	vst v0  }
0x7e: {  	[tilespmem:$0x800] =	vst v0  }
0x7f: {  	[tilespmem:$0x810] =	vst v0  }
0x80: {  	[tilespmem:$0x820] =	vst v0  }
0x81: {  	[tilespmem:$0x830] =	vst v0  }
0x82: {  	[tilespmem:$0x840] =	vst v0  }
0x83: {  	[tilespmem:$0x850] =	vst v0  }
0x84: {  	[tilespmem:$0x860] =	vst v0  }
0x85: {  	[tilespmem:$0x870] =	vst v0  }
0x86: {  	[tilespmem:$0x880] =	vst v0  }
0x87: {  	[tilespmem:$0x890] =	vst v0  }
0x88: {  	[tilespmem:$0x8A0] =	vst v0  }
0x89: {  	[tilespmem:$0x8B0] =	vst v0  }
0x8a: {  	[tilespmem:$0x8C0] =	vst v0  }
0x8b: {  	[tilespmem:$0x8D0] =	vst v0  }
0x8c: {  	[tilespmem:$0x8E0] =	vst v0  }
0x8d: {  	[tilespmem:$0x8F0] =	vst v0  }
0x8e: {  	[tilespmem:$0x900] =	vst v0  }
0x8f: {  	[tilespmem:$0x910] =	vst v0  }
0x90: {  	[tilespmem:$0x920] =	vst v0  }
0x91: {  	[tilespmem:$0x930] =	vst v0  }
0x92: {  	[tilespmem:$0x940] =	vst v0  }
0x93: {  	[tilespmem:$0x950] =	vst v0  }
0x94: {  	[tilespmem:$0x960] =	vst v0  }
0x95: {  	[tilespmem:$0x970] =	vst v0  }
0x96: {  	[tilespmem:$0x980] =	vst v0  }
0x97: {  	[tilespmem:$0x990] =	vst v0  }
0x98: {  	[tilespmem:$0x9A0] =	vst v0  }
0x99: {  	[tilespmem:$0x9B0] =	vst v0  }
0x9a: {  	[tilespmem:$0x9C0] =	vst v0  }
0x9b: {  	[tilespmem:$0x9D0] =	vst v0  }
0x9c: {  	[tilespmem:$0x9E0] =	vst v0  }
0x9d: {  	[tilespmem:$0x9F0] =	vst v0  }
0x9e: {  	v1 =	vld [tilespmem:s7+$0x0]  }
0x9f: {  	v2 =	vld [tilespmem:s7+$0x100];
	_ =	sdelay $0x3  }
0xa0: {  	(v2sf) =	vpush v1, $0x0  }
0xa1: {  	(v2sf) =	vpush v2, $0x0;
	_ =	sdelay $0xd  }
0xa2: {  	s16 =	spop (v2sf)  }
0xa3: {  	s17 =	spop (v2sf)  }
0xa4: {  	s18 =	sand.u32 $0xF, s17  }
0xa5: {  	s19 =	sshra.s32 s17, $0x1F;
	p1 =	slt.s32 s17, $0x1;
	p2 =	sne.s32 s18, $0x0  }
0xa6: {  	s31 =	sshrl.u32 s19, $0x1C;
	p1 =	por !p1, !p2  }
0xa7: {  	s19 =	simm.s32 $0x1;
	s18 =	sadd.s32 s31, s17;
	p1 =	por !p1, !p1  }
0xa8: {  	s18 =	sshra.s32 s18, $0x4;
	s19 =	simm.s32 @!p1 $0x0  }
0xa9: {  	s18 =	ssub.s32 s18, s19  }
0xaa: {  	p1 =	sgt.s32 s18, $0x0  }
.Ltmp2:
0xab: {  	_ = 	snop;
	(pc) =	sbr.rel @!p1 .LBB2_2-.Ltmp2, $1  }
0xac: {  	_ =	sdelay $0x3  }
0xad: {  	p1 =	seq.s32 s18, $0x1  }
.Ltmp3:
0xae: {  	_ = 	snop;
	(pc) =	sbr.rel @p1 .LBB2_25-.Ltmp3, $4  }
0xaf: {  	s19 =	sshrl.u32 s16, $0x3  }
0xb0: {  	s19 =	sadd.s32 s1, s19  }
0xb1: {  	[hbm4b:s19+s3] =	stream.linear.scatter [tilespmem:s14], [sflag:$0x1], $0x800, $0x38;
	[tilespmem:$0xA00] =	vst v63  }
0xb2: {  	s20 =	sadd.s32 $0x800, s16;
	s19 =	sadd.s32 $0xFFFFFFFF, s18;
	_ =	swait.ge [sflag:s12], $0x800  }
.LBB2_24:
0xb3: {  	s21 =	sshrl.u32 s20, $0x3;
	[sflag:s12] =	ssyncset.done $0x0;
	p1 =	seq.s32 s19, $0x1  }
.Ltmp4:
0xb4: {  	s21 =	sadd.s32 s1, s21;
	[sflag:s12] =	ssyncadd.s32 $0xFFFFF800;
	(pc) =	sbr.rel @!p1 .LBB2_24-.Ltmp4, $3  }
0xb5: {  	[hbm4b:s21+s3] =	stream.linear.scatter [tilespmem:s14], [sflag:$0x1], $0x800, $0x38;
	[tilespmem:$0xA00] =	vst v63  }
0xb6: {  	s19 =	sadd.s32 $0xFFFFFFFF, s19;
	_ =	sdelay $0x1  }
0xb7: {  	s20 =	sadd.s32 $0x800, s20;
	_ =	swait.ge [sflag:s12], $0x800  }
.LBB2_25:
0xb8: {  	[sflag:s12] =	ssyncset.done $0x0  }
0xb9: {  	[sflag:s12] =	ssyncadd.s32 $0xFFFFF800  }
.LBB2_2:
0xba: {  	s19 =	sshll.u32 s18, $0x4  }
0xbb: {  	s17 =	ssub.s32 s17, s19  }
0xbc: {  	p1 =	slt.s32 s17, $0x1  }
.Ltmp5:
0xbd: {  	_ = 	snop;
	(pc) =	sbr.rel @p1 .LBB2_6-.Ltmp5, $1  }
0xbe: {  	_ =	sdelay $0x3  }
0xbf: {  	s18 =	sshll.u32 s18, $0xB;
	p1 =	sne.s32 s17, $0x1  }
.Ltmp6:
0xc0: {  	s18 =	sadd.s32 s18, s16;
	(pc) =	sbr.rel @!p1 .LBB2_5-.Ltmp6, $4  }
0xc1: {  	s16 =	sshrl.u32 s18, $0x3  }
0xc2: {  	s16 =	sadd.s32 s1, s16  }
0xc3: {  	[hbm4b:s16+s3] =	stream.linear.scatter [tilespmem:s14], [sflag:$0x1], $0x80, $0x38;
	[tilespmem:$0xA00] =	vst v63  }
0xc4: {  	s16 =	sadd.s32 $0xFFFFFFFF, s17;
	s17 =	sadd.s32 $0x80, s18;
	_ =	swait.ge [sflag:s12], $0x80  }
.LBB2_4:
0xc5: {  	s18 =	sshrl.u32 s17, $0x3;
	[sflag:s12] =	ssyncset.done $0x0;
	p1 =	sne.s32 s16, $0x1  }
.Ltmp7:
0xc6: {  	s18 =	sadd.s32 s1, s18;
	[sflag:s12] =	ssyncadd.s32 $0xFFFFFF80;
	(pc) =	sbr.rel @p1 .LBB2_4-.Ltmp7, $3  }
0xc7: {  	[hbm4b:s18+s3] =	stream.linear.scatter [tilespmem:s14], [sflag:$0x1], $0x80, $0x38;
	[tilespmem:$0xA00] =	vst v63  }
0xc8: {  	s16 =	sadd.s32 $0xFFFFFFFF, s16;
	_ =	sdelay $0x1  }
0xc9: {  	s17 =	sadd.s32 $0x80, s17;
	_ =	swait.ge [sflag:s12], $0x80  }
.LBB2_5:
0xca: {  	[sflag:s12] =	ssyncset.done $0x0  }
0xcb: {  	[sflag:s12] =	ssyncadd.s32 $0xFFFFFF80  }
.LBB2_6:
0xcc: {  	v1 =	vld [tilespmem:s8+$0x0]  }
0xcd: {  	v2 =	vld [tilespmem:s8+$0x100];
	_ =	sdelay $0x3  }
0xce: {  	(v2sf) =	vpush v1, $0x0  }
0xcf: {  	(v2sf) =	vpush v2, $0x0;
	_ =	sdelay $0xd  }
0xd0: {  	s16 =	spop (v2sf)  }
0xd1: {  	s17 =	spop (v2sf)  }
0xd2: {  	s18 =	sand.u32 $0xF, s17  }
0xd3: {  	s19 =	sshra.s32 s17, $0x1F;
	p1 =	slt.s32 s17, $0x1;
	p2 =	sne.s32 s18, $0x0  }
0xd4: {  	s31 =	sshrl.u32 s19, $0x1C;
	p1 =	por !p1, !p2  }
0xd5: {  	s19 =	simm.s32 $0x1;
	s18 =	sadd.s32 s31, s17;
	p1 =	por !p1, !p1  }
0xd6: {  	s18 =	sshra.s32 s18, $0x4;
	s19 =	simm.s32 @!p1 $0x0  }
0xd7: {  	s18 =	ssub.s32 s18, s19  }
0xd8: {  	p1 =	sgt.s32 s18, $0x0  }
.Ltmp8:
0xd9: {  	_ = 	snop;
	(pc) =	sbr.rel @!p1 .LBB2_7-.Ltmp8, $1  }
0xda: {  	_ =	sdelay $0x3  }
0xdb: {  	p1 =	seq.s32 s18, $0x1  }
.Ltmp9:
0xdc: {  	_ = 	snop;
	(pc) =	sbr.rel @p1 .LBB2_28-.Ltmp9, $4  }
0xdd: {  	s19 =	sshrl.u32 s16, $0x3  }
0xde: {  	s19 =	sadd.s32 s1, s19  }
0xdf: {  	[hbm4b:s19+s3] =	stream.linear.scatter [tilespmem:s14], [sflag:$0x1], $0x800, $0x38;
	[tilespmem:$0xA00] =	vst v63  }
0xe0: {  	s20 =	sadd.s32 $0x800, s16;
	s19 =	sadd.s32 $0xFFFFFFFF, s18;
	_ =	swait.ge [sflag:s12], $0x800  }
.LBB2_27:
0xe1: {  	s21 =	sshrl.u32 s20, $0x3;
	[sflag:s12] =	ssyncset.done $0x0;
	p1 =	seq.s32 s19, $0x1  }
.Ltmp10:
0xe2: {  	s21 =	sadd.s32 s1, s21;
	[sflag:s12] =	ssyncadd.s32 $0xFFFFF800;
	(pc) =	sbr.rel @!p1 .LBB2_27-.Ltmp10, $3  }
0xe3: {  	[hbm4b:s21+s3] =	stream.linear.scatter [tilespmem:s14], [sflag:$0x1], $0x800, $0x38;
	[tilespmem:$0xA00] =	vst v63  }
0xe4: {  	s19 =	sadd.s32 $0xFFFFFFFF, s19;
	_ =	sdelay $0x1  }
0xe5: {  	s20 =	sadd.s32 $0x800, s20;
	_ =	swait.ge [sflag:s12], $0x800  }
.LBB2_28:
0xe6: {  	[sflag:s12] =	ssyncset.done $0x0  }
0xe7: {  	[sflag:s12] =	ssyncadd.s32 $0xFFFFF800  }
.LBB2_7:
0xe8: {  	s19 =	sshll.u32 s18, $0x4  }
0xe9: {  	s17 =	ssub.s32 s17, s19  }
0xea: {  	p1 =	slt.s32 s17, $0x1  }
.Ltmp11:
0xeb: {  	_ = 	snop;
	(pc) =	sbr.rel @p1 .LBB2_11-.Ltmp11, $1  }
0xec: {  	_ =	sdelay $0x3  }
0xed: {  	s18 =	sshll.u32 s18, $0xB;
	p1 =	sne.s32 s17, $0x1  }
.Ltmp12:
0xee: {  	s18 =	sadd.s32 s18, s16;
	(pc) =	sbr.rel @!p1 .LBB2_10-.Ltmp12, $4  }
0xef: {  	s16 =	sshrl.u32 s18, $0x3  }
0xf0: {  	s16 =	sadd.s32 s1, s16  }
0xf1: {  	[hbm4b:s16+s3] =	stream.linear.scatter [tilespmem:s14], [sflag:$0x1], $0x80, $0x38;
	[tilespmem:$0xA00] =	vst v63  }
0xf2: {  	s16 =	sadd.s32 $0xFFFFFFFF, s17;
	s17 =	sadd.s32 $0x80, s18;
	_ =	swait.ge [sflag:s12], $0x80  }
.LBB2_9:
0xf3: {  	s18 =	sshrl.u32 s17, $0x3;
	[sflag:s12] =	ssyncset.done $0x0;
	p1 =	sne.s32 s16, $0x1  }
.Ltmp13:
0xf4: {  	s18 =	sadd.s32 s1, s18;
	[sflag:s12] =	ssyncadd.s32 $0xFFFFFF80;
	(pc) =	sbr.rel @p1 .LBB2_9-.Ltmp13, $3  }
0xf5: {  	[hbm4b:s18+s3] =	stream.linear.scatter [tilespmem:s14], [sflag:$0x1], $0x80, $0x38;
	[tilespmem:$0xA00] =	vst v63  }
0xf6: {  	s16 =	sadd.s32 $0xFFFFFFFF, s16;
	_ =	sdelay $0x1  }
0xf7: {  	s17 =	sadd.s32 $0x80, s17;
	_ =	swait.ge [sflag:s12], $0x80  }
.LBB2_10:
0xf8: {  	[sflag:s12] =	ssyncset.done $0x0  }
0xf9: {  	[sflag:s12] =	ssyncadd.s32 $0xFFFFFF80  }
.LBB2_11:
0xfa: {  	v1 =	vld [tilespmem:s9+$0x0]  }
0xfb: {  	v2 =	vld [tilespmem:s9+$0x100];
	_ =	sdelay $0x3  }
0xfc: {  	(v2sf) =	vpush v1, $0x0  }
0xfd: {  	(v2sf) =	vpush v2, $0x0;
	_ =	sdelay $0xd  }
0xfe: {  	s16 =	spop (v2sf)  }
0xff: {  	s17 =	spop (v2sf)  }
0x100: {  	s18 =	sand.u32 $0xF, s17  }
0x101: {  	s19 =	sshra.s32 s17, $0x1F;
	p1 =	slt.s32 s17, $0x1;
	p2 =	sne.s32 s18, $0x0  }
0x102: {  	s31 =	sshrl.u32 s19, $0x1C;
	p1 =	por !p1, !p2  }
0x103: {  	s19 =	simm.s32 $0x1;
	s18 =	sadd.s32 s31, s17;
	p1 =	por !p1, !p1  }
0x104: {  	s18 =	sshra.s32 s18, $0x4;
	s19 =	simm.s32 @!p1 $0x0  }
0x105: {  	s18 =	ssub.s32 s18, s19  }
0x106: {  	p1 =	sgt.s32 s18, $0x0  }
.Ltmp14:
0x107: {  	_ = 	snop;
	(pc) =	sbr.rel @!p1 .LBB2_12-.Ltmp14, $1  }
0x108: {  	_ =	sdelay $0x3  }
0x109: {  	p1 =	seq.s32 s18, $0x1  }
.Ltmp15:
0x10a: {  	_ = 	snop;
	(pc) =	sbr.rel @p1 .LBB2_31-.Ltmp15, $4  }
0x10b: {  	s19 =	sshrl.u32 s16, $0x3  }
0x10c: {  	s19 =	sadd.s32 s1, s19  }
0x10d: {  	[hbm4b:s19+s3] =	stream.linear.scatter [tilespmem:s14], [sflag:$0x1], $0x800, $0x38;
	[tilespmem:$0xA00] =	vst v63  }
0x10e: {  	s20 =	sadd.s32 $0x800, s16;
	s19 =	sadd.s32 $0xFFFFFFFF, s18;
	_ =	swait.ge [sflag:s12], $0x800  }
.LBB2_30:
0x10f: {  	s21 =	sshrl.u32 s20, $0x3;
	[sflag:s12] =	ssyncset.done $0x0;
	p1 =	seq.s32 s19, $0x1  }
.Ltmp16:
0x110: {  	s21 =	sadd.s32 s1, s21;
	[sflag:s12] =	ssyncadd.s32 $0xFFFFF800;
	(pc) =	sbr.rel @!p1 .LBB2_30-.Ltmp16, $3  }
0x111: {  	[hbm4b:s21+s3] =	stream.linear.scatter [tilespmem:s14], [sflag:$0x1], $0x800, $0x38;
	[tilespmem:$0xA00] =	vst v63  }
0x112: {  	s19 =	sadd.s32 $0xFFFFFFFF, s19;
	_ =	sdelay $0x1  }
0x113: {  	s20 =	sadd.s32 $0x800, s20;
	_ =	swait.ge [sflag:s12], $0x800  }
.LBB2_31:
0x114: {  	[sflag:s12] =	ssyncset.done $0x0  }
0x115: {  	[sflag:s12] =	ssyncadd.s32 $0xFFFFF800  }
.LBB2_12:
0x116: {  	s19 =	sshll.u32 s18, $0x4  }
0x117: {  	s17 =	ssub.s32 s17, s19  }
0x118: {  	p1 =	slt.s32 s17, $0x1  }
.Ltmp17:
0x119: {  	_ = 	snop;
	(pc) =	sbr.rel @p1 .LBB2_16-.Ltmp17, $1  }
0x11a: {  	_ =	sdelay $0x3  }
0x11b: {  	s18 =	sshll.u32 s18, $0xB;
	p1 =	sne.s32 s17, $0x1  }
.Ltmp18:
0x11c: {  	s18 =	sadd.s32 s18, s16;
	(pc) =	sbr.rel @!p1 .LBB2_15-.Ltmp18, $4  }
0x11d: {  	s16 =	sshrl.u32 s18, $0x3  }
0x11e: {  	s16 =	sadd.s32 s1, s16  }
0x11f: {  	[hbm4b:s16+s3] =	stream.linear.scatter [tilespmem:s14], [sflag:$0x1], $0x80, $0x38;
	[tilespmem:$0xA00] =	vst v63  }
0x120: {  	s16 =	sadd.s32 $0xFFFFFFFF, s17;
	s17 =	sadd.s32 $0x80, s18;
	_ =	swait.ge [sflag:s12], $0x80  }
.LBB2_14:
0x121: {  	s18 =	sshrl.u32 s17, $0x3;
	[sflag:s12] =	ssyncset.done $0x0;
	p1 =	sne.s32 s16, $0x1  }
.Ltmp19:
0x122: {  	s18 =	sadd.s32 s1, s18;
	[sflag:s12] =	ssyncadd.s32 $0xFFFFFF80;
	(pc) =	sbr.rel @p1 .LBB2_14-.Ltmp19, $3  }
0x123: {  	[hbm4b:s18+s3] =	stream.linear.scatter [tilespmem:s14], [sflag:$0x1], $0x80, $0x38;
	[tilespmem:$0xA00] =	vst v63  }
0x124: {  	s16 =	sadd.s32 $0xFFFFFFFF, s16;
	_ =	sdelay $0x1  }
0x125: {  	s17 =	sadd.s32 $0x80, s17;
	_ =	swait.ge [sflag:s12], $0x80  }
.LBB2_15:
0x126: {  	[sflag:s12] =	ssyncset.done $0x0  }
0x127: {  	[sflag:s12] =	ssyncadd.s32 $0xFFFFFF80  }
.LBB2_16:
0x128: {  	v1 =	vld [tilespmem:s10+$0x0]  }
0x129: {  	v2 =	vld [tilespmem:s10+$0x100];
	_ =	sdelay $0x3  }
0x12a: {  	(v2sf) =	vpush v1, $0x0  }
0x12b: {  	(v2sf) =	vpush v2, $0x0;
	_ =	sdelay $0xd  }
0x12c: {  	s16 =	spop (v2sf)  }
0x12d: {  	s17 =	spop (v2sf)  }
0x12e: {  	s18 =	sand.u32 $0xF, s17  }
0x12f: {  	s19 =	sshra.s32 s17, $0x1F;
	p1 =	slt.s32 s17, $0x1;
	p2 =	sne.s32 s18, $0x0  }
0x130: {  	s31 =	sshrl.u32 s19, $0x1C;
	p1 =	por !p1, !p2  }
0x131: {  	s19 =	simm.s32 $0x1;
	s18 =	sadd.s32 s31, s17;
	p1 =	por !p1, !p1  }
0x132: {  	s18 =	sshra.s32 s18, $0x4;
	s19 =	simm.s32 @!p1 $0x0  }
0x133: {  	s18 =	ssub.s32 s18, s19  }
0x134: {  	p1 =	sgt.s32 s18, $0x0  }
.Ltmp20:
0x135: {  	_ = 	snop;
	(pc) =	sbr.rel @!p1 .LBB2_17-.Ltmp20, $1  }
0x136: {  	_ =	sdelay $0x3  }
0x137: {  	p1 =	seq.s32 s18, $0x1  }
.Ltmp21:
0x138: {  	_ = 	snop;
	(pc) =	sbr.rel @p1 .LBB2_34-.Ltmp21, $4  }
0x139: {  	s19 =	sshrl.u32 s16, $0x3  }
0x13a: {  	s19 =	sadd.s32 s1, s19  }
0x13b: {  	[hbm4b:s19+s3] =	stream.linear.scatter [tilespmem:s14], [sflag:$0x1], $0x800, $0x38;
	[tilespmem:$0xA00] =	vst v63  }
0x13c: {  	s20 =	sadd.s32 $0x800, s16;
	s19 =	sadd.s32 $0xFFFFFFFF, s18;
	_ =	swait.ge [sflag:s12], $0x800  }
.LBB2_33:
0x13d: {  	s21 =	sshrl.u32 s20, $0x3;
	[sflag:s12] =	ssyncset.done $0x0;
	p1 =	seq.s32 s19, $0x1  }
.Ltmp22:
0x13e: {  	s21 =	sadd.s32 s1, s21;
	[sflag:s12] =	ssyncadd.s32 $0xFFFFF800;
	(pc) =	sbr.rel @!p1 .LBB2_33-.Ltmp22, $3  }
0x13f: {  	[hbm4b:s21+s3] =	stream.linear.scatter [tilespmem:s14], [sflag:$0x1], $0x800, $0x38;
	[tilespmem:$0xA00] =	vst v63  }
0x140: {  	s19 =	sadd.s32 $0xFFFFFFFF, s19;
	_ =	sdelay $0x1  }
0x141: {  	s20 =	sadd.s32 $0x800, s20;
	_ =	swait.ge [sflag:s12], $0x800  }
.LBB2_34:
0x142: {  	[sflag:s12] =	ssyncset.done $0x0  }
0x143: {  	[sflag:s12] =	ssyncadd.s32 $0xFFFFF800  }
.LBB2_17:
0x144: {  	s19 =	sshll.u32 s18, $0x4  }
0x145: {  	s17 =	ssub.s32 s17, s19  }
0x146: {  	p1 =	slt.s32 s17, $0x1  }
.Ltmp23:
0x147: {  	_ = 	snop;
	(pc) =	sbr.rel @p1 .LBB2_21-.Ltmp23, $1  }
0x148: {  	_ =	sdelay $0x3  }
0x149: {  	s18 =	sshll.u32 s18, $0xB;
	p1 =	sne.s32 s17, $0x1  }
.Ltmp24:
0x14a: {  	s18 =	sadd.s32 s18, s16;
	(pc) =	sbr.rel @!p1 .LBB2_20-.Ltmp24, $4  }
0x14b: {  	s16 =	sshrl.u32 s18, $0x3  }
0x14c: {  	s16 =	sadd.s32 s1, s16  }
0x14d: {  	[hbm4b:s16+s3] =	stream.linear.scatter [tilespmem:s14], [sflag:$0x1], $0x80, $0x38;
	[tilespmem:$0xA00] =	vst v63  }
0x14e: {  	s16 =	sadd.s32 $0xFFFFFFFF, s17;
	s17 =	sadd.s32 $0x80, s18;
	_ =	swait.ge [sflag:s12], $0x80  }
.LBB2_19:
0x14f: {  	s18 =	sshrl.u32 s17, $0x3;
	[sflag:s12] =	ssyncset.done $0x0;
	p1 =	sne.s32 s16, $0x1  }
.Ltmp25:
0x150: {  	s18 =	sadd.s32 s1, s18;
	[sflag:s12] =	ssyncadd.s32 $0xFFFFFF80;
	(pc) =	sbr.rel @p1 .LBB2_19-.Ltmp25, $3  }
0x151: {  	[hbm4b:s18+s3] =	stream.linear.scatter [tilespmem:s14], [sflag:$0x1], $0x80, $0x38;
	[tilespmem:$0xA00] =	vst v63  }
0x152: {  	s16 =	sadd.s32 $0xFFFFFFFF, s16;
	_ =	sdelay $0x1  }
0x153: {  	s17 =	sadd.s32 $0x80, s17;
	_ =	swait.ge [sflag:s12], $0x80  }
.Ltmp26:
0x154: {  	_ = 	snop;
	(pc) =	sbr.rel .LBB2_20-.Ltmp26, $1  }
0x155: {  	_ =	sdelay $0x3  }
.LBB2_22:
0x156: {  	_ =	sfence.sel $0x180000  }
0x157: {  	[bflag:$0x0] =	sbarrier.arrive $0xFFFF  }
0x158: {  	p0 =	sne.s32 s2, $0x0;
	_ =	strace $0x90000047  }
0x159: {  	s0 =	sadd.s32 @!p0 $0x100000, s0;
	[bflag:$0x2] =	sbarrier.arrive $0xFFFF  }
0x15a: {  	[sflag:s0] =	ssyncadd.tile.s32 @!p0 $0x1;
	_ =	shalt  }
.Lfunc_end2:
_tile_overlayer_lowered:
.L_overlay_start_2:
0x15b: {  	(tag) =	ssettag $0x2  }
0x15c: {  	s0 =	rddreg [dreg:$0x0];
	s2 =	stileid.u32  }
0x15d: {  	s1 =	rddreg [dreg:$0x1];
	p0 =	sne.s32 s2, $0x0  }
0x15e: {  	s3 =	rddreg [dreg:$0x2];
	[bflag:$0x3] =	sbarrier.arrive $0xFFFF;
	s2 =	simm.s32 @!p0 $0x1C01  }
0x15f: {  	[timem:s3], [sflag:s2] =	dma.local @!p0 [hbm:s0], s1  }
0x160: {  	s0 =	simm.s32 @!p0 $0x1  }
0x161: {  	_ =	swait.ge @!p0 [sflag:s0], s1  }
0x162: {  	s1 =	ssub.s32 @!p0 $0x0, s1;
	[sflag:s0] =	ssyncset.done @!p0 $0x0  }
0x163: {  	[sflag:s0] =	ssyncadd.s32 @!p0 s1  }
0x164: {  	[bflag:$0x3] =	sbarrier.arrive $0xFFFF  }
0x165: {  	_ =	shalt  }

</sc_bundles>
